<compile_context>
chip_gen: v7x
topology: tpu7x:2x2x1
jax: 0.10.2.dev20260603
libtpu: 0.0.44.dev20260713+nightly
codegen_flags: <defaults>
</compile_context>

<pallas_src>
import functools

import jax
import jax.numpy as jnp
from jax import lax
from jax.experimental import pallas as pl
from jax.experimental.pallas import tpu as pltpu
from jax.experimental.pallas import tpu_sc as plsc

B = 16384
D = 768
NC = 2
NS = 16
NW = NC * NS
BPW = B // NW
CHUNK = 64
NBUF = 2
NCHUNK = BPW // CHUNK


def _make_gather(V):
    mesh = plsc.VectorSubcoreMesh(core_axis_name="c", subcore_axis_name="s")

    @functools.partial(
        pl.kernel,
        mesh=mesh,
        out_type=jax.ShapeDtypeStruct((B, 1, D), jnp.float32),
        scratch_types=[
            pltpu.VMEM((BPW,), jnp.int32),
            pltpu.VMEM((NBUF, CHUNK, D), jnp.float32),
        ] + [pltpu.SemaphoreType.DMA] * (2 * NBUF),
    )
    def gather_kernel(table_hbm, idx_hbm, out_hbm, idx_v, rows_v, *sems):
        wid = lax.axis_index("s") * NC + lax.axis_index("c")
        base = wid * BPW
        gsem = sems[:NBUF]
        osem = sems[NBUF:]
        pltpu.sync_copy(idx_hbm.at[pl.ds(base, BPW)], idx_v)

        gh = [None] * NBUF
        oh = [None] * NBUF

        def start_gather(c):
            buf = c % NBUF
            if oh[buf] is not None:
                oh[buf].wait()
            gh[buf] = pltpu.async_copy(
                table_hbm.at[idx_v.at[pl.ds(c * CHUNK, CHUNK)]],
                rows_v.at[buf], gsem[buf])

        def start_out(c):
            buf = c % NBUF
            gh[buf].wait()
            oh[buf] = pltpu.async_copy(
                rows_v.at[buf],
                out_hbm.at[pl.ds(base + c * CHUNK, CHUNK), 0],
                osem[buf])

        for c in range(min(NBUF, NCHUNK)):
            start_gather(c)
        for c in range(NCHUNK):
            start_out(c)
            if c + NBUF < NCHUNK:
                start_gather(c + NBUF)
        for buf in range(NBUF):
            if oh[buf] is not None:
                oh[buf].wait()

    return gather_kernel


def kernel(ids, table):
    ids = ids.astype(jnp.int32)
    return _make_gather(table.shape[0])(table, ids)

# --- scband reference (transcript-rebuilt; emitter-appended) ---
"""Pipeline reference for scband-dummy-text-encoder-57698590654675 (READ-ONLY COPY).

The authoritative reference and input builder live on the scoring server;
editing this copy changes nothing except your own understanding.
"""

import jax, jax.numpy as jnp
import numpy as np

VOCAB = 100000
EMBED_DIM = 768
BATCH = 16384

def setup_inputs(seed: int = 0) -> dict:
    key = jax.random.key(seed)
    k_ids, k_tab = jax.random.split(key)
    ids = jax.random.randint(k_ids, (BATCH,), 0, VOCAB, dtype=jnp.int64 if jax.config.jax_enable_x64 else jnp.int32)
    table = jax.random.normal(k_tab, (VOCAB, EMBED_DIM), dtype=jnp.float32)
    return {"ids": ids, "table": table}

def reference(ids, table):
    # DummyTextEncoder.forward: tokenize prompts -> ids (done in setup), then
    # self.embed(ids).unsqueeze(1)
    emb = jnp.take(table, ids, axis=0)          # gather: [B, 768]
    return emb[:, None, :]                       # unsqueeze(1): [B, 1, 768]

if __name__ == "__main__":
    import jax
    _d = setup_inputs()
    print(jax.jit(kernel)(*tuple(_d.values())))

</pallas_src>

<mosaic_0001>
#map = affine_map<(d0, d1) -> (0, 0)>
#map1 = affine_map<(d0, d1) -> (0)>
#map2 = affine_map<(d0, d1) -> (0, 0, 0)>
module attributes {stable_mosaic.version = 14 : i64} {
  func.func @gather_kernel(%arg0: i32, %arg1: i32, %arg2: memref<100000x768xf32, #tpu.memory_space<hbm>>, %arg3: memref<16384xi32, #tpu.memory_space<hbm>>, %arg4: memref<16384x1x768xf32, #tpu.memory_space<hbm>>, %arg5: memref<512xi32, #tpu.memory_space<vmem>>, %arg6: memref<2x64x768xf32, #tpu.memory_space<vmem>>, %arg7: memref<!tpu.dma_semaphore, #tpu.memory_space<semaphore_mem>>, %arg8: memref<!tpu.dma_semaphore, #tpu.memory_space<semaphore_mem>>, %arg9: memref<!tpu.dma_semaphore, #tpu.memory_space<semaphore_mem>>, %arg10: memref<!tpu.dma_semaphore, #tpu.memory_space<semaphore_mem>>) attributes {dimension_semantics = [#tpu.dimension_semantics<core_parallel>, #tpu.dimension_semantics<subcore_parallel>], iteration_bounds = array<i64: 2, 16>, scalar_prefetch = 0 : i64, scratch_operands = 6 : i64, tpu.core_type = #tpu.core_type<sc_vector_subcore>, window_params = [{transform_indices = #map}, {transform_indices = #map1}, {transform_indices = #map2}]} {
    %mul3A = arith.constant 2 : i32
    %mul3A_0 = arith.muli %arg1, %mul3A : i32
    %add3A = arith.addi %mul3A_0, %arg0 : i32
    %mul3A_1 = arith.constant 512 : i32
    %mul3A_2 = arith.muli %add3A, %mul3A_1 : i32
    "tpu.region"() ({
      %run_scoped3A = tpu.sem_alloc : memref<!tpu.dma_semaphore, #tpu.memory_space<semaphore_mem>>
      %dma_start3A_433 = tpu.memref_slice %arg3[%mul3A_2] : memref<16384xi32, #tpu.memory_space<hbm>> -> memref<512xi32, #tpu.memory_space<hbm>>
      %dma_start3A_434 = tpu.memref_slice %arg3[%mul3A_2] : memref<16384xi32, #tpu.memory_space<hbm>> -> memref<512xi32, #tpu.memory_space<hbm>>
      tpu.enqueue_dma source(%dma_start3A_434 : memref<512xi32, #tpu.memory_space<hbm>>) target(%arg5 : memref<512xi32, #tpu.memory_space<vmem>>) target_semaphore(%run_scoped3A : memref<!tpu.dma_semaphore, #tpu.memory_space<semaphore_mem>>)
      %dma_wait3A_435 = tpu.memref_slice %arg3[%mul3A_2] : memref<16384xi32, #tpu.memory_space<hbm>> -> memref<512xi32, #tpu.memory_space<hbm>>
      %dma_wait3A_436 = tpu.memref_slice %arg3[%mul3A_2] : memref<16384xi32, #tpu.memory_space<hbm>> -> memref<512xi32, #tpu.memory_space<hbm>>
      tpu.wait_dma2 semaphore(%run_scoped3A : memref<!tpu.dma_semaphore, #tpu.memory_space<semaphore_mem>>) src(%dma_wait3A_436 : memref<512xi32, #tpu.memory_space<hbm>>) dst(%arg5 : memref<512xi32, #tpu.memory_space<vmem>>)
      tpu.yield
    }) : () -> ()
    %dma_start3A = arith.constant 0 : i32
    %dma_start3A_3 = arith.constant 0 : i32
    %dma_start3A_4 = arith.constant 0 : i32
    %dma_start3A_5 = tpu.memref_slice %arg6[%dma_start3A, %dma_start3A_3, %dma_start3A_4] : memref<2x64x768xf32, #tpu.memory_space<vmem>> -> memref<1x64x768xf32, #tpu.memory_space<vmem>>
    %dma_start3A_6 = tpu.memref_squeeze %dma_start3A_5 : memref<1x64x768xf32, #tpu.memory_space<vmem>> -> memref<64x768xf32, #tpu.memory_space<vmem>>
    %dma_start3A_7 = arith.constant 0 : i32
    %dma_start3A_8 = tpu.memref_slice %arg5[%dma_start3A_7] : memref<512xi32, #tpu.memory_space<vmem>> -> memref<64xi32, #tpu.memory_space<vmem>>
    %dma_start3A_9 = arith.constant 0 : i32
    %dma_start3A_10 = arith.constant 0 : i32
    %dma_start3A_11 = tpu.memref_slice %arg2[%dma_start3A_9, %dma_start3A_10] : memref<100000x768xf32, #tpu.memory_space<hbm>> -> memref<100000x768xf32, #tpu.memory_space<hbm>>
    tpu.enqueue_indirect_dma source(%dma_start3A_11 : memref<100000x768xf32, #tpu.memory_space<hbm>>) target(%dma_start3A_6 : memref<64x768xf32, #tpu.memory_space<vmem>>) offsets(%dma_start3A_8 : memref<64xi32, #tpu.memory_space<vmem>>) semaphore(%arg7 : memref<!tpu.dma_semaphore, #tpu.memory_space<semaphore_mem>>)
    %dma_start3A_12 = arith.constant 1 : i32
    %dma_start3A_13 = arith.constant 0 : i32
    %dma_start3A_14 = arith.constant 0 : i32
    %dma_start3A_15 = tpu.memref_slice %arg6[%dma_start3A_12, %dma_start3A_13, %dma_start3A_14] : memref<2x64x768xf32, #tpu.memory_space<vmem>> -> memref<1x64x768xf32, #tpu.memory_space<vmem>>
    %dma_start3A_16 = tpu.memref_squeeze %dma_start3A_15 : memref<1x64x768xf32, #tpu.memory_space<vmem>> -> memref<64x768xf32, #tpu.memory_space<vmem>>
    %dma_start3A_17 = arith.constant 64 : i32
    %dma_start3A_18 = tpu.memref_slice %arg5[%dma_start3A_17] : memref<512xi32, #tpu.memory_space<vmem>> -> memref<64xi32, #tpu.memory_space<vmem>>
    %dma_start3A_19 = arith.constant 0 : i32
    %dma_start3A_20 = arith.constant 0 : i32
    %dma_start3A_21 = tpu.memref_slice %arg2[%dma_start3A_19, %dma_start3A_20] : memref<100000x768xf32, #tpu.memory_space<hbm>> -> memref<100000x768xf32, #tpu.memory_space<hbm>>
    tpu.enqueue_indirect_dma source(%dma_start3A_21 : memref<100000x768xf32, #tpu.memory_space<hbm>>) target(%dma_start3A_16 : memref<64x768xf32, #tpu.memory_space<vmem>>) offsets(%dma_start3A_18 : memref<64xi32, #tpu.memory_space<vmem>>) semaphore(%arg8 : memref<!tpu.dma_semaphore, #tpu.memory_space<semaphore_mem>>)
    %dma_wait3A = arith.constant 0 : i32
    %dma_wait3A_22 = arith.constant 0 : i32
    %dma_wait3A_23 = arith.constant 0 : i32
    %dma_wait3A_24 = tpu.memref_slice %arg6[%dma_wait3A, %dma_wait3A_22, %dma_wait3A_23] : memref<2x64x768xf32, #tpu.memory_space<vmem>> -> memref<1x64x768xf32, #tpu.memory_space<vmem>>
    %dma_wait3A_25 = tpu.memref_squeeze %dma_wait3A_24 : memref<1x64x768xf32, #tpu.memory_space<vmem>> -> memref<64x768xf32, #tpu.memory_space<vmem>>
    %dma_wait3A_26 = arith.constant 0 : i32
    %dma_wait3A_27 = tpu.memref_slice %arg5[%dma_wait3A_26] : memref<512xi32, #tpu.memory_space<vmem>> -> memref<64xi32, #tpu.memory_space<vmem>>
    %dma_wait3A_28 = arith.constant 0 : i32
    %dma_wait3A_29 = arith.constant 0 : i32
    %dma_wait3A_30 = tpu.memref_slice %arg2[%dma_wait3A_28, %dma_wait3A_29] : memref<100000x768xf32, #tpu.memory_space<hbm>> -> memref<100000x768xf32, #tpu.memory_space<hbm>>
    tpu.wait_indirect_dma semaphore(%arg7 : memref<!tpu.dma_semaphore, #tpu.memory_space<semaphore_mem>>) src(%dma_wait3A_30 : memref<100000x768xf32, #tpu.memory_space<hbm>>) dst(%dma_wait3A_25 : memref<64x768xf32, #tpu.memory_space<vmem>>)
    %add3A_31 = arith.constant 0 : i32
    %add3A_32 = arith.addi %mul3A_2, %add3A_31 : i32
    %dma_start3A_33 = arith.constant 0 : i32
    %dma_start3A_34 = arith.constant 0 : i32
    %dma_start3A_35 = arith.constant 0 : i32
    %dma_start3A_36 = arith.constant 0 : i32
    %dma_start3A_37 = tpu.memref_slice %arg6[%dma_start3A_33, %dma_start3A_35, %dma_start3A_36] : memref<2x64x768xf32, #tpu.memory_space<vmem>> -> memref<1x64x768xf32, #tpu.memory_space<vmem>>
    %dma_start3A_38 = tpu.memref_squeeze %dma_start3A_37 : memref<1x64x768xf32, #tpu.memory_space<vmem>> -> memref<64x768xf32, #tpu.memory_space<vmem>>
    %dma_start3A_39 = arith.constant 0 : i32
    %dma_start3A_40 = tpu.memref_slice %arg4[%add3A_32, %dma_start3A_34, %dma_start3A_39] : memref<16384x1x768xf32, #tpu.memory_space<hbm>> -> memref<64x1x768xf32, #tpu.memory_space<hbm>>
    %dma_start3A_41 = tpu.memref_squeeze %dma_start3A_40 : memref<64x1x768xf32, #tpu.memory_space<hbm>> -> memref<64x768xf32, #tpu.memory_space<hbm>>
    %dma_start3A_42 = arith.constant 0 : i32
    %dma_start3A_43 = tpu.memref_slice %arg4[%add3A_32, %dma_start3A_34, %dma_start3A_42] : memref<16384x1x768xf32, #tpu.memory_space<hbm>> -> memref<64x1x768xf32, #tpu.memory_space<hbm>>
    %dma_start3A_44 = tpu.memref_squeeze %dma_start3A_43 : memref<64x1x768xf32, #tpu.memory_space<hbm>> -> memref<64x768xf32, #tpu.memory_space<hbm>>
    %dma_start3A_45 = arith.constant 0 : i32
    %dma_start3A_46 = arith.constant 0 : i32
    %dma_start3A_47 = tpu.memref_slice %arg6[%dma_start3A_33, %dma_start3A_45, %dma_start3A_46] : memref<2x64x768xf32, #tpu.memory_space<vmem>> -> memref<1x64x768xf32, #tpu.memory_space<vmem>>
    %dma_start3A_48 = tpu.memref_squeeze %dma_start3A_47 : memref<1x64x768xf32, #tpu.memory_space<vmem>> -> memref<64x768xf32, #tpu.memory_space<vmem>>
    tpu.enqueue_dma source(%dma_start3A_48 : memref<64x768xf32, #tpu.memory_space<vmem>>) target(%dma_start3A_44 : memref<64x768xf32, #tpu.memory_space<hbm>>) target_semaphore(%arg9 : memref<!tpu.dma_semaphore, #tpu.memory_space<semaphore_mem>>)
    %dma_wait3A_49 = arith.constant 0 : i32
    %dma_wait3A_50 = arith.constant 0 : i32
    %dma_wait3A_51 = arith.constant 0 : i32
    %dma_wait3A_52 = arith.constant 0 : i32
    %dma_wait3A_53 = tpu.memref_slice %arg6[%dma_wait3A_49, %dma_wait3A_51, %dma_wait3A_52] : memref<2x64x768xf32, #tpu.memory_space<vmem>> -> memref<1x64x768xf32, #tpu.memory_space<vmem>>
    %dma_wait3A_54 = tpu.memref_squeeze %dma_wait3A_53 : memref<1x64x768xf32, #tpu.memory_space<vmem>> -> memref<64x768xf32, #tpu.memory_space<vmem>>
    %dma_wait3A_55 = arith.constant 0 : i32
    %dma_wait3A_56 = tpu.memref_slice %arg4[%add3A_32, %dma_wait3A_50, %dma_wait3A_55] : memref<16384x1x768xf32, #tpu.memory_space<hbm>> -> memref<64x1x768xf32, #tpu.memory_space<hbm>>
    %dma_wait3A_57 = tpu.memref_squeeze %dma_wait3A_56 : memref<64x1x768xf32, #tpu.memory_space<hbm>> -> memref<64x768xf32, #tpu.memory_space<hbm>>
    %dma_wait3A_58 = arith.constant 0 : i32
    %dma_wait3A_59 = tpu.memref_slice %arg4[%add3A_32, %dma_wait3A_50, %dma_wait3A_58] : memref<16384x1x768xf32, #tpu.memory_space<hbm>> -> memref<64x1x768xf32, #tpu.memory_space<hbm>>
    %dma_wait3A_60 = tpu.memref_squeeze %dma_wait3A_59 : memref<64x1x768xf32, #tpu.memory_space<hbm>> -> memref<64x768xf32, #tpu.memory_space<hbm>>
    %dma_wait3A_61 = arith.constant 0 : i32
    %dma_wait3A_62 = arith.constant 0 : i32
    %dma_wait3A_63 = tpu.memref_slice %arg6[%dma_wait3A_49, %dma_wait3A_61, %dma_wait3A_62] : memref<2x64x768xf32, #tpu.memory_space<vmem>> -> memref<1x64x768xf32, #tpu.memory_space<vmem>>
    %dma_wait3A_64 = tpu.memref_squeeze %dma_wait3A_63 : memref<1x64x768xf32, #tpu.memory_space<vmem>> -> memref<64x768xf32, #tpu.memory_space<vmem>>
    tpu.wait_dma2 semaphore(%arg9 : memref<!tpu.dma_semaphore, #tpu.memory_space<semaphore_mem>>) src(%dma_wait3A_64 : memref<64x768xf32, #tpu.memory_space<vmem>>) dst(%dma_wait3A_60 : memref<64x768xf32, #tpu.memory_space<hbm>>)
    %dma_start3A_65 = arith.constant 0 : i32
    %dma_start3A_66 = arith.constant 0 : i32
    %dma_start3A_67 = arith.constant 0 : i32
    %dma_start3A_68 = tpu.memref_slice %arg6[%dma_start3A_65, %dma_start3A_66, %dma_start3A_67] : memref<2x64x768xf32, #tpu.memory_space<vmem>> -> memref<1x64x768xf32, #tpu.memory_space<vmem>>
    %dma_start3A_69 = tpu.memref_squeeze %dma_start3A_68 : memref<1x64x768xf32, #tpu.memory_space<vmem>> -> memref<64x768xf32, #tpu.memory_space<vmem>>
    %dma_start3A_70 = arith.constant 128 : i32
    %dma_start3A_71 = tpu.memref_slice %arg5[%dma_start3A_70] : memref<512xi32, #tpu.memory_space<vmem>> -> memref<64xi32, #tpu.memory_space<vmem>>
    %dma_start3A_72 = arith.constant 0 : i32
    %dma_start3A_73 = arith.constant 0 : i32
    %dma_start3A_74 = tpu.memref_slice %arg2[%dma_start3A_72, %dma_start3A_73] : memref<100000x768xf32, #tpu.memory_space<hbm>> -> memref<100000x768xf32, #tpu.memory_space<hbm>>
    tpu.enqueue_indirect_dma source(%dma_start3A_74 : memref<100000x768xf32, #tpu.memory_space<hbm>>) target(%dma_start3A_69 : memref<64x768xf32, #tpu.memory_space<vmem>>) offsets(%dma_start3A_71 : memref<64xi32, #tpu.memory_space<vmem>>) semaphore(%arg7 : memref<!tpu.dma_semaphore, #tpu.memory_space<semaphore_mem>>)
    %dma_wait3A_75 = arith.constant 1 : i32
    %dma_wait3A_76 = arith.constant 0 : i32
    %dma_wait3A_77 = arith.constant 0 : i32
    %dma_wait3A_78 = tpu.memref_slice %arg6[%dma_wait3A_75, %dma_wait3A_76, %dma_wait3A_77] : memref<2x64x768xf32, #tpu.memory_space<vmem>> -> memref<1x64x768xf32, #tpu.memory_space<vmem>>
    %dma_wait3A_79 = tpu.memref_squeeze %dma_wait3A_78 : memref<1x64x768xf32, #tpu.memory_space<vmem>> -> memref<64x768xf32, #tpu.memory_space<vmem>>
    %dma_wait3A_80 = arith.constant 64 : i32
    %dma_wait3A_81 = tpu.memref_slice %arg5[%dma_wait3A_80] : memref<512xi32, #tpu.memory_space<vmem>> -> memref<64xi32, #tpu.memory_space<vmem>>
    %dma_wait3A_82 = arith.constant 0 : i32
    %dma_wait3A_83 = arith.constant 0 : i32
    %dma_wait3A_84 = tpu.memref_slice %arg2[%dma_wait3A_82, %dma_wait3A_83] : memref<100000x768xf32, #tpu.memory_space<hbm>> -> memref<100000x768xf32, #tpu.memory_space<hbm>>
    tpu.wait_indirect_dma semaphore(%arg8 : memref<!tpu.dma_semaphore, #tpu.memory_space<semaphore_mem>>) src(%dma_wait3A_84 : memref<100000x768xf32, #tpu.memory_space<hbm>>) dst(%dma_wait3A_79 : memref<64x768xf32, #tpu.memory_space<vmem>>)
    %add3A_85 = arith.constant 64 : i32
    %add3A_86 = arith.addi %mul3A_2, %add3A_85 : i32
    %dma_start3A_87 = arith.constant 1 : i32
    %dma_start3A_88 = arith.constant 0 : i32
    %dma_start3A_89 = arith.constant 0 : i32
    %dma_start3A_90 = arith.constant 0 : i32
    %dma_start3A_91 = tpu.memref_slice %arg6[%dma_start3A_87, %dma_start3A_89, %dma_start3A_90] : memref<2x64x768xf32, #tpu.memory_space<vmem>> -> memref<1x64x768xf32, #tpu.memory_space<vmem>>
    %dma_start3A_92 = tpu.memref_squeeze %dma_start3A_91 : memref<1x64x768xf32, #tpu.memory_space<vmem>> -> memref<64x768xf32, #tpu.memory_space<vmem>>
    %dma_start3A_93 = arith.constant 0 : i32
    %dma_start3A_94 = tpu.memref_slice %arg4[%add3A_86, %dma_start3A_88, %dma_start3A_93] : memref<16384x1x768xf32, #tpu.memory_space<hbm>> -> memref<64x1x768xf32, #tpu.memory_space<hbm>>
    %dma_start3A_95 = tpu.memref_squeeze %dma_start3A_94 : memref<64x1x768xf32, #tpu.memory_space<hbm>> -> memref<64x768xf32, #tpu.memory_space<hbm>>
    %dma_start3A_96 = arith.constant 0 : i32
    %dma_start3A_97 = tpu.memref_slice %arg4[%add3A_86, %dma_start3A_88, %dma_start3A_96] : memref<16384x1x768xf32, #tpu.memory_space<hbm>> -> memref<64x1x768xf32, #tpu.memory_space<hbm>>
    %dma_start3A_98 = tpu.memref_squeeze %dma_start3A_97 : memref<64x1x768xf32, #tpu.memory_space<hbm>> -> memref<64x768xf32, #tpu.memory_space<hbm>>
    %dma_start3A_99 = arith.constant 0 : i32
    %dma_start3A_100 = arith.constant 0 : i32
    %dma_start3A_101 = tpu.memref_slice %arg6[%dma_start3A_87, %dma_start3A_99, %dma_start3A_100] : memref<2x64x768xf32, #tpu.memory_space<vmem>> -> memref<1x64x768xf32, #tpu.memory_space<vmem>>
    %dma_start3A_102 = tpu.memref_squeeze %dma_start3A_101 : memref<1x64x768xf32, #tpu.memory_space<vmem>> -> memref<64x768xf32, #tpu.memory_space<vmem>>
    tpu.enqueue_dma source(%dma_start3A_102 : memref<64x768xf32, #tpu.memory_space<vmem>>) target(%dma_start3A_98 : memref<64x768xf32, #tpu.memory_space<hbm>>) target_semaphore(%arg10 : memref<!tpu.dma_semaphore, #tpu.memory_space<semaphore_mem>>)
    %dma_wait3A_103 = arith.constant 1 : i32
    %dma_wait3A_104 = arith.constant 0 : i32
    %dma_wait3A_105 = arith.constant 0 : i32
    %dma_wait3A_106 = arith.constant 0 : i32
    %dma_wait3A_107 = tpu.memref_slice %arg6[%dma_wait3A_103, %dma_wait3A_105, %dma_wait3A_106] : memref<2x64x768xf32, #tpu.memory_space<vmem>> -> memref<1x64x768xf32, #tpu.memory_space<vmem>>
    %dma_wait3A_108 = tpu.memref_squeeze %dma_wait3A_107 : memref<1x64x768xf32, #tpu.memory_space<vmem>> -> memref<64x768xf32, #tpu.memory_space<vmem>>
    %dma_wait3A_109 = arith.constant 0 : i32
    %dma_wait3A_110 = tpu.memref_slice %arg4[%add3A_86, %dma_wait3A_104, %dma_wait3A_109] : memref<16384x1x768xf32, #tpu.memory_space<hbm>> -> memref<64x1x768xf32, #tpu.memory_space<hbm>>
    %dma_wait3A_111 = tpu.memref_squeeze %dma_wait3A_110 : memref<64x1x768xf32, #tpu.memory_space<hbm>> -> memref<64x768xf32, #tpu.memory_space<hbm>>
    %dma_wait3A_112 = arith.constant 0 : i32
    %dma_wait3A_113 = tpu.memref_slice %arg4[%add3A_86, %dma_wait3A_104, %dma_wait3A_112] : memref<16384x1x768xf32, #tpu.memory_space<hbm>> -> memref<64x1x768xf32, #tpu.memory_space<hbm>>
    %dma_wait3A_114 = tpu.memref_squeeze %dma_wait3A_113 : memref<64x1x768xf32, #tpu.memory_space<hbm>> -> memref<64x768xf32, #tpu.memory_space<hbm>>
    %dma_wait3A_115 = arith.constant 0 : i32
    %dma_wait3A_116 = arith.constant 0 : i32
    %dma_wait3A_117 = tpu.memref_slice %arg6[%dma_wait3A_103, %dma_wait3A_115, %dma_wait3A_116] : memref<2x64x768xf32, #tpu.memory_space<vmem>> -> memref<1x64x768xf32, #tpu.memory_space<vmem>>
    %dma_wait3A_118 = tpu.memref_squeeze %dma_wait3A_117 : memref<1x64x768xf32, #tpu.memory_space<vmem>> -> memref<64x768xf32, #tpu.memory_space<vmem>>
    tpu.wait_dma2 semaphore(%arg10 : memref<!tpu.dma_semaphore, #tpu.memory_space<semaphore_mem>>) src(%dma_wait3A_118 : memref<64x768xf32, #tpu.memory_space<vmem>>) dst(%dma_wait3A_114 : memref<64x768xf32, #tpu.memory_space<hbm>>)
    %dma_start3A_119 = arith.constant 1 : i32
    %dma_start3A_120 = arith.constant 0 : i32
    %dma_start3A_121 = arith.constant 0 : i32
    %dma_start3A_122 = tpu.memref_slice %arg6[%dma_start3A_119, %dma_start3A_120, %dma_start3A_121] : memref<2x64x768xf32, #tpu.memory_space<vmem>> -> memref<1x64x768xf32, #tpu.memory_space<vmem>>
    %dma_start3A_123 = tpu.memref_squeeze %dma_start3A_122 : memref<1x64x768xf32, #tpu.memory_space<vmem>> -> memref<64x768xf32, #tpu.memory_space<vmem>>
    %dma_start3A_124 = arith.constant 192 : i32
    %dma_start3A_125 = tpu.memref_slice %arg5[%dma_start3A_124] : memref<512xi32, #tpu.memory_space<vmem>> -> memref<64xi32, #tpu.memory_space<vmem>>
    %dma_start3A_126 = arith.constant 0 : i32
    %dma_start3A_127 = arith.constant 0 : i32
    %dma_start3A_128 = tpu.memref_slice %arg2[%dma_start3A_126, %dma_start3A_127] : memref<100000x768xf32, #tpu.memory_space<hbm>> -> memref<100000x768xf32, #tpu.memory_space<hbm>>
    tpu.enqueue_indirect_dma source(%dma_start3A_128 : memref<100000x768xf32, #tpu.memory_space<hbm>>) target(%dma_start3A_123 : memref<64x768xf32, #tpu.memory_space<vmem>>) offsets(%dma_start3A_125 : memref<64xi32, #tpu.memory_space<vmem>>) semaphore(%arg8 : memref<!tpu.dma_semaphore, #tpu.memory_space<semaphore_mem>>)
    %dma_wait3A_129 = arith.constant 0 : i32
    %dma_wait3A_130 = arith.constant 0 : i32
    %dma_wait3A_131 = arith.constant 0 : i32
    %dma_wait3A_132 = tpu.memref_slice %arg6[%dma_wait3A_129, %dma_wait3A_130, %dma_wait3A_131] : memref<2x64x768xf32, #tpu.memory_space<vmem>> -> memref<1x64x768xf32, #tpu.memory_space<vmem>>
    %dma_wait3A_133 = tpu.memref_squeeze %dma_wait3A_132 : memref<1x64x768xf32, #tpu.memory_space<vmem>> -> memref<64x768xf32, #tpu.memory_space<vmem>>
    %dma_wait3A_134 = arith.constant 128 : i32
    %dma_wait3A_135 = tpu.memref_slice %arg5[%dma_wait3A_134] : memref<512xi32, #tpu.memory_space<vmem>> -> memref<64xi32, #tpu.memory_space<vmem>>
    %dma_wait3A_136 = arith.constant 0 : i32
    %dma_wait3A_137 = arith.constant 0 : i32
    %dma_wait3A_138 = tpu.memref_slice %arg2[%dma_wait3A_136, %dma_wait3A_137] : memref<100000x768xf32, #tpu.memory_space<hbm>> -> memref<100000x768xf32, #tpu.memory_space<hbm>>
    tpu.wait_indirect_dma semaphore(%arg7 : memref<!tpu.dma_semaphore, #tpu.memory_space<semaphore_mem>>) src(%dma_wait3A_138 : memref<100000x768xf32, #tpu.memory_space<hbm>>) dst(%dma_wait3A_133 : memref<64x768xf32, #tpu.memory_space<vmem>>)
    %add3A_139 = arith.constant 128 : i32
    %add3A_140 = arith.addi %mul3A_2, %add3A_139 : i32
    %dma_start3A_141 = arith.constant 0 : i32
    %dma_start3A_142 = arith.constant 0 : i32
    %dma_start3A_143 = arith.constant 0 : i32
    %dma_start3A_144 = arith.constant 0 : i32
    %dma_start3A_145 = tpu.memref_slice %arg6[%dma_start3A_141, %dma_start3A_143, %dma_start3A_144] : memref<2x64x768xf32, #tpu.memory_space<vmem>> -> memref<1x64x768xf32, #tpu.memory_space<vmem>>
    %dma_start3A_146 = tpu.memref_squeeze %dma_start3A_145 : memref<1x64x768xf32, #tpu.memory_space<vmem>> -> memref<64x768xf32, #tpu.memory_space<vmem>>
    %dma_start3A_147 = arith.constant 0 : i32
    %dma_start3A_148 = tpu.memref_slice %arg4[%add3A_140, %dma_start3A_142, %dma_start3A_147] : memref<16384x1x768xf32, #tpu.memory_space<hbm>> -> memref<64x1x768xf32, #tpu.memory_space<hbm>>
    %dma_start3A_149 = tpu.memref_squeeze %dma_start3A_148 : memref<64x1x768xf32, #tpu.memory_space<hbm>> -> memref<64x768xf32, #tpu.memory_space<hbm>>
    %dma_start3A_150 = arith.constant 0 : i32
    %dma_start3A_151 = tpu.memref_slice %arg4[%add3A_140, %dma_start3A_142, %dma_start3A_150] : memref<16384x1x768xf32, #tpu.memory_space<hbm>> -> memref<64x1x768xf32, #tpu.memory_space<hbm>>
    %dma_start3A_152 = tpu.memref_squeeze %dma_start3A_151 : memref<64x1x768xf32, #tpu.memory_space<hbm>> -> memref<64x768xf32, #tpu.memory_space<hbm>>
    %dma_start3A_153 = arith.constant 0 : i32
    %dma_start3A_154 = arith.constant 0 : i32
    %dma_start3A_155 = tpu.memref_slice %arg6[%dma_start3A_141, %dma_start3A_153, %dma_start3A_154] : memref<2x64x768xf32, #tpu.memory_space<vmem>> -> memref<1x64x768xf32, #tpu.memory_space<vmem>>
    %dma_start3A_156 = tpu.memref_squeeze %dma_start3A_155 : memref<1x64x768xf32, #tpu.memory_space<vmem>> -> memref<64x768xf32, #tpu.memory_space<vmem>>
    tpu.enqueue_dma source(%dma_start3A_156 : memref<64x768xf32, #tpu.memory_space<vmem>>) target(%dma_start3A_152 : memref<64x768xf32, #tpu.memory_space<hbm>>) target_semaphore(%arg9 : memref<!tpu.dma_semaphore, #tpu.memory_space<semaphore_mem>>)
    %dma_wait3A_157 = arith.constant 0 : i32
    %dma_wait3A_158 = arith.constant 0 : i32
    %dma_wait3A_159 = arith.constant 0 : i32
    %dma_wait3A_160 = arith.constant 0 : i32
    %dma_wait3A_161 = tpu.memref_slice %arg6[%dma_wait3A_157, %dma_wait3A_159, %dma_wait3A_160] : memref<2x64x768xf32, #tpu.memory_space<vmem>> -> memref<1x64x768xf32, #tpu.memory_space<vmem>>
    %dma_wait3A_162 = tpu.memref_squeeze %dma_wait3A_161 : memref<1x64x768xf32, #tpu.memory_space<vmem>> -> memref<64x768xf32, #tpu.memory_space<vmem>>
    %dma_wait3A_163 = arith.constant 0 : i32
    %dma_wait3A_164 = tpu.memref_slice %arg4[%add3A_140, %dma_wait3A_158, %dma_wait3A_163] : memref<16384x1x768xf32, #tpu.memory_space<hbm>> -> memref<64x1x768xf32, #tpu.memory_space<hbm>>
    %dma_wait3A_165 = tpu.memref_squeeze %dma_wait3A_164 : memref<64x1x768xf32, #tpu.memory_space<hbm>> -> memref<64x768xf32, #tpu.memory_space<hbm>>
    %dma_wait3A_166 = arith.constant 0 : i32
    %dma_wait3A_167 = tpu.memref_slice %arg4[%add3A_140, %dma_wait3A_158, %dma_wait3A_166] : memref<16384x1x768xf32, #tpu.memory_space<hbm>> -> memref<64x1x768xf32, #tpu.memory_space<hbm>>
    %dma_wait3A_168 = tpu.memref_squeeze %dma_wait3A_167 : memref<64x1x768xf32, #tpu.memory_space<hbm>> -> memref<64x768xf32, #tpu.memory_space<hbm>>
    %dma_wait3A_169 = arith.constant 0 : i32
    %dma_wait3A_170 = arith.constant 0 : i32
    %dma_wait3A_171 = tpu.memref_slice %arg6[%dma_wait3A_157, %dma_wait3A_169, %dma_wait3A_170] : memref<2x64x768xf32, #tpu.memory_space<vmem>> -> memref<1x64x768xf32, #tpu.memory_space<vmem>>
    %dma_wait3A_172 = tpu.memref_squeeze %dma_wait3A_171 : memref<1x64x768xf32, #tpu.memory_space<vmem>> -> memref<64x768xf32, #tpu.memory_space<vmem>>
    tpu.wait_dma2 semaphore(%arg9 : memref<!tpu.dma_semaphore, #tpu.memory_space<semaphore_mem>>) src(%dma_wait3A_172 : memref<64x768xf32, #tpu.memory_space<vmem>>) dst(%dma_wait3A_168 : memref<64x768xf32, #tpu.memory_space<hbm>>)
    %dma_start3A_173 = arith.constant 0 : i32
    %dma_start3A_174 = arith.constant 0 : i32
    %dma_start3A_175 = arith.constant 0 : i32
    %dma_start3A_176 = tpu.memref_slice %arg6[%dma_start3A_173, %dma_start3A_174, %dma_start3A_175] : memref<2x64x768xf32, #tpu.memory_space<vmem>> -> memref<1x64x768xf32, #tpu.memory_space<vmem>>
    %dma_start3A_177 = tpu.memref_squeeze %dma_start3A_176 : memref<1x64x768xf32, #tpu.memory_space<vmem>> -> memref<64x768xf32, #tpu.memory_space<vmem>>
    %dma_start3A_178 = arith.constant 256 : i32
    %dma_start3A_179 = tpu.memref_slice %arg5[%dma_start3A_178] : memref<512xi32, #tpu.memory_space<vmem>> -> memref<64xi32, #tpu.memory_space<vmem>>
    %dma_start3A_180 = arith.constant 0 : i32
    %dma_start3A_181 = arith.constant 0 : i32
    %dma_start3A_182 = tpu.memref_slice %arg2[%dma_start3A_180, %dma_start3A_181] : memref<100000x768xf32, #tpu.memory_space<hbm>> -> memref<100000x768xf32, #tpu.memory_space<hbm>>
    tpu.enqueue_indirect_dma source(%dma_start3A_182 : memref<100000x768xf32, #tpu.memory_space<hbm>>) target(%dma_start3A_177 : memref<64x768xf32, #tpu.memory_space<vmem>>) offsets(%dma_start3A_179 : memref<64xi32, #tpu.memory_space<vmem>>) semaphore(%arg7 : memref<!tpu.dma_semaphore, #tpu.memory_space<semaphore_mem>>)
    %dma_wait3A_183 = arith.constant 1 : i32
    %dma_wait3A_184 = arith.constant 0 : i32
    %dma_wait3A_185 = arith.constant 0 : i32
    %dma_wait3A_186 = tpu.memref_slice %arg6[%dma_wait3A_183, %dma_wait3A_184, %dma_wait3A_185] : memref<2x64x768xf32, #tpu.memory_space<vmem>> -> memref<1x64x768xf32, #tpu.memory_space<vmem>>
    %dma_wait3A_187 = tpu.memref_squeeze %dma_wait3A_186 : memref<1x64x768xf32, #tpu.memory_space<vmem>> -> memref<64x768xf32, #tpu.memory_space<vmem>>
    %dma_wait3A_188 = arith.constant 192 : i32
    %dma_wait3A_189 = tpu.memref_slice %arg5[%dma_wait3A_188] : memref<512xi32, #tpu.memory_space<vmem>> -> memref<64xi32, #tpu.memory_space<vmem>>
    %dma_wait3A_190 = arith.constant 0 : i32
    %dma_wait3A_191 = arith.constant 0 : i32
    %dma_wait3A_192 = tpu.memref_slice %arg2[%dma_wait3A_190, %dma_wait3A_191] : memref<100000x768xf32, #tpu.memory_space<hbm>> -> memref<100000x768xf32, #tpu.memory_space<hbm>>
    tpu.wait_indirect_dma semaphore(%arg8 : memref<!tpu.dma_semaphore, #tpu.memory_space<semaphore_mem>>) src(%dma_wait3A_192 : memref<100000x768xf32, #tpu.memory_space<hbm>>) dst(%dma_wait3A_187 : memref<64x768xf32, #tpu.memory_space<vmem>>)
    %add3A_193 = arith.constant 192 : i32
    %add3A_194 = arith.addi %mul3A_2, %add3A_193 : i32
    %dma_start3A_195 = arith.constant 1 : i32
    %dma_start3A_196 = arith.constant 0 : i32
    %dma_start3A_197 = arith.constant 0 : i32
    %dma_start3A_198 = arith.constant 0 : i32
    %dma_start3A_199 = tpu.memref_slice %arg6[%dma_start3A_195, %dma_start3A_197, %dma_start3A_198] : memref<2x64x768xf32, #tpu.memory_space<vmem>> -> memref<1x64x768xf32, #tpu.memory_space<vmem>>
    %dma_start3A_200 = tpu.memref_squeeze %dma_start3A_199 : memref<1x64x768xf32, #tpu.memory_space<vmem>> -> memref<64x768xf32, #tpu.memory_space<vmem>>
    %dma_start3A_201 = arith.constant 0 : i32
    %dma_start3A_202 = tpu.memref_slice %arg4[%add3A_194, %dma_start3A_196, %dma_start3A_201] : memref<16384x1x768xf32, #tpu.memory_space<hbm>> -> memref<64x1x768xf32, #tpu.memory_space<hbm>>
    %dma_start3A_203 = tpu.memref_squeeze %dma_start3A_202 : memref<64x1x768xf32, #tpu.memory_space<hbm>> -> memref<64x768xf32, #tpu.memory_space<hbm>>
    %dma_start3A_204 = arith.constant 0 : i32
    %dma_start3A_205 = tpu.memref_slice %arg4[%add3A_194, %dma_start3A_196, %dma_start3A_204] : memref<16384x1x768xf32, #tpu.memory_space<hbm>> -> memref<64x1x768xf32, #tpu.memory_space<hbm>>
    %dma_start3A_206 = tpu.memref_squeeze %dma_start3A_205 : memref<64x1x768xf32, #tpu.memory_space<hbm>> -> memref<64x768xf32, #tpu.memory_space<hbm>>
    %dma_start3A_207 = arith.constant 0 : i32
    %dma_start3A_208 = arith.constant 0 : i32
    %dma_start3A_209 = tpu.memref_slice %arg6[%dma_start3A_195, %dma_start3A_207, %dma_start3A_208] : memref<2x64x768xf32, #tpu.memory_space<vmem>> -> memref<1x64x768xf32, #tpu.memory_space<vmem>>
    %dma_start3A_210 = tpu.memref_squeeze %dma_start3A_209 : memref<1x64x768xf32, #tpu.memory_space<vmem>> -> memref<64x768xf32, #tpu.memory_space<vmem>>
    tpu.enqueue_dma source(%dma_start3A_210 : memref<64x768xf32, #tpu.memory_space<vmem>>) target(%dma_start3A_206 : memref<64x768xf32, #tpu.memory_space<hbm>>) target_semaphore(%arg10 : memref<!tpu.dma_semaphore, #tpu.memory_space<semaphore_mem>>)
    %dma_wait3A_211 = arith.constant 1 : i32
    %dma_wait3A_212 = arith.constant 0 : i32
    %dma_wait3A_213 = arith.constant 0 : i32
    %dma_wait3A_214 = arith.constant 0 : i32
    %dma_wait3A_215 = tpu.memref_slice %arg6[%dma_wait3A_211, %dma_wait3A_213, %dma_wait3A_214] : memref<2x64x768xf32, #tpu.memory_space<vmem>> -> memref<1x64x768xf32, #tpu.memory_space<vmem>>
    %dma_wait3A_216 = tpu.memref_squeeze %dma_wait3A_215 : memref<1x64x768xf32, #tpu.memory_space<vmem>> -> memref<64x768xf32, #tpu.memory_space<vmem>>
    %dma_wait3A_217 = arith.constant 0 : i32
    %dma_wait3A_218 = tpu.memref_slice %arg4[%add3A_194, %dma_wait3A_212, %dma_wait3A_217] : memref<16384x1x768xf32, #tpu.memory_space<hbm>> -> memref<64x1x768xf32, #tpu.memory_space<hbm>>
    %dma_wait3A_219 = tpu.memref_squeeze %dma_wait3A_218 : memref<64x1x768xf32, #tpu.memory_space<hbm>> -> memref<64x768xf32, #tpu.memory_space<hbm>>
    %dma_wait3A_220 = arith.constant 0 : i32
    %dma_wait3A_221 = tpu.memref_slice %arg4[%add3A_194, %dma_wait3A_212, %dma_wait3A_220] : memref<16384x1x768xf32, #tpu.memory_space<hbm>> -> memref<64x1x768xf32, #tpu.memory_space<hbm>>
    %dma_wait3A_222 = tpu.memref_squeeze %dma_wait3A_221 : memref<64x1x768xf32, #tpu.memory_space<hbm>> -> memref<64x768xf32, #tpu.memory_space<hbm>>
    %dma_wait3A_223 = arith.constant 0 : i32
    %dma_wait3A_224 = arith.constant 0 : i32
    %dma_wait3A_225 = tpu.memref_slice %arg6[%dma_wait3A_211, %dma_wait3A_223, %dma_wait3A_224] : memref<2x64x768xf32, #tpu.memory_space<vmem>> -> memref<1x64x768xf32, #tpu.memory_space<vmem>>
    %dma_wait3A_226 = tpu.memref_squeeze %dma_wait3A_225 : memref<1x64x768xf32, #tpu.memory_space<vmem>> -> memref<64x768xf32, #tpu.memory_space<vmem>>
    tpu.wait_dma2 semaphore(%arg10 : memref<!tpu.dma_semaphore, #tpu.memory_space<semaphore_mem>>) src(%dma_wait3A_226 : memref<64x768xf32, #tpu.memory_space<vmem>>) dst(%dma_wait3A_222 : memref<64x768xf32, #tpu.memory_space<hbm>>)
    %dma_start3A_227 = arith.constant 1 : i32
    %dma_start3A_228 = arith.constant 0 : i32
    %dma_start3A_229 = arith.constant 0 : i32
    %dma_start3A_230 = tpu.memref_slice %arg6[%dma_start3A_227, %dma_start3A_228, %dma_start3A_229] : memref<2x64x768xf32, #tpu.memory_space<vmem>> -> memref<1x64x768xf32, #tpu.memory_space<vmem>>
    %dma_start3A_231 = tpu.memref_squeeze %dma_start3A_230 : memref<1x64x768xf32, #tpu.memory_space<vmem>> -> memref<64x768xf32, #tpu.memory_space<vmem>>
    %dma_start3A_232 = arith.constant 320 : i32
    %dma_start3A_233 = tpu.memref_slice %arg5[%dma_start3A_232] : memref<512xi32, #tpu.memory_space<vmem>> -> memref<64xi32, #tpu.memory_space<vmem>>
    %dma_start3A_234 = arith.constant 0 : i32
    %dma_start3A_235 = arith.constant 0 : i32
    %dma_start3A_236 = tpu.memref_slice %arg2[%dma_start3A_234, %dma_start3A_235] : memref<100000x768xf32, #tpu.memory_space<hbm>> -> memref<100000x768xf32, #tpu.memory_space<hbm>>
    tpu.enqueue_indirect_dma source(%dma_start3A_236 : memref<100000x768xf32, #tpu.memory_space<hbm>>) target(%dma_start3A_231 : memref<64x768xf32, #tpu.memory_space<vmem>>) offsets(%dma_start3A_233 : memref<64xi32, #tpu.memory_space<vmem>>) semaphore(%arg8 : memref<!tpu.dma_semaphore, #tpu.memory_space<semaphore_mem>>)
    %dma_wait3A_237 = arith.constant 0 : i32
    %dma_wait3A_238 = arith.constant 0 : i32
    %dma_wait3A_239 = arith.constant 0 : i32
    %dma_wait3A_240 = tpu.memref_slice %arg6[%dma_wait3A_237, %dma_wait3A_238, %dma_wait3A_239] : memref<2x64x768xf32, #tpu.memory_space<vmem>> -> memref<1x64x768xf32, #tpu.memory_space<vmem>>
    %dma_wait3A_241 = tpu.memref_squeeze %dma_wait3A_240 : memref<1x64x768xf32, #tpu.memory_space<vmem>> -> memref<64x768xf32, #tpu.memory_space<vmem>>
    %dma_wait3A_242 = arith.constant 256 : i32
    %dma_wait3A_243 = tpu.memref_slice %arg5[%dma_wait3A_242] : memref<512xi32, #tpu.memory_space<vmem>> -> memref<64xi32, #tpu.memory_space<vmem>>
    %dma_wait3A_244 = arith.constant 0 : i32
    %dma_wait3A_245 = arith.constant 0 : i32
    %dma_wait3A_246 = tpu.memref_slice %arg2[%dma_wait3A_244, %dma_wait3A_245] : memref<100000x768xf32, #tpu.memory_space<hbm>> -> memref<100000x768xf32, #tpu.memory_space<hbm>>
    tpu.wait_indirect_dma semaphore(%arg7 : memref<!tpu.dma_semaphore, #tpu.memory_space<semaphore_mem>>) src(%dma_wait3A_246 : memref<100000x768xf32, #tpu.memory_space<hbm>>) dst(%dma_wait3A_241 : memref<64x768xf32, #tpu.memory_space<vmem>>)
    %add3A_247 = arith.constant 256 : i32
    %add3A_248 = arith.addi %mul3A_2, %add3A_247 : i32
    %dma_start3A_249 = arith.constant 0 : i32
    %dma_start3A_250 = arith.constant 0 : i32
    %dma_start3A_251 = arith.constant 0 : i32
    %dma_start3A_252 = arith.constant 0 : i32
    %dma_start3A_253 = tpu.memref_slice %arg6[%dma_start3A_249, %dma_start3A_251, %dma_start3A_252] : memref<2x64x768xf32, #tpu.memory_space<vmem>> -> memref<1x64x768xf32, #tpu.memory_space<vmem>>
    %dma_start3A_254 = tpu.memref_squeeze %dma_start3A_253 : memref<1x64x768xf32, #tpu.memory_space<vmem>> -> memref<64x768xf32, #tpu.memory_space<vmem>>
    %dma_start3A_255 = arith.constant 0 : i32
    %dma_start3A_256 = tpu.memref_slice %arg4[%add3A_248, %dma_start3A_250, %dma_start3A_255] : memref<16384x1x768xf32, #tpu.memory_space<hbm>> -> memref<64x1x768xf32, #tpu.memory_space<hbm>>
    %dma_start3A_257 = tpu.memref_squeeze %dma_start3A_256 : memref<64x1x768xf32, #tpu.memory_space<hbm>> -> memref<64x768xf32, #tpu.memory_space<hbm>>
    %dma_start3A_258 = arith.constant 0 : i32
    %dma_start3A_259 = tpu.memref_slice %arg4[%add3A_248, %dma_start3A_250, %dma_start3A_258] : memref<16384x1x768xf32, #tpu.memory_space<hbm>> -> memref<64x1x768xf32, #tpu.memory_space<hbm>>
    %dma_start3A_260 = tpu.memref_squeeze %dma_start3A_259 : memref<64x1x768xf32, #tpu.memory_space<hbm>> -> memref<64x768xf32, #tpu.memory_space<hbm>>
    %dma_start3A_261 = arith.constant 0 : i32
    %dma_start3A_262 = arith.constant 0 : i32
    %dma_start3A_263 = tpu.memref_slice %arg6[%dma_start3A_249, %dma_start3A_261, %dma_start3A_262] : memref<2x64x768xf32, #tpu.memory_space<vmem>> -> memref<1x64x768xf32, #tpu.memory_space<vmem>>
    %dma_start3A_264 = tpu.memref_squeeze %dma_start3A_263 : memref<1x64x768xf32, #tpu.memory_space<vmem>> -> memref<64x768xf32, #tpu.memory_space<vmem>>
    tpu.enqueue_dma source(%dma_start3A_264 : memref<64x768xf32, #tpu.memory_space<vmem>>) target(%dma_start3A_260 : memref<64x768xf32, #tpu.memory_space<hbm>>) target_semaphore(%arg9 : memref<!tpu.dma_semaphore, #tpu.memory_space<semaphore_mem>>)
    %dma_wait3A_265 = arith.constant 0 : i32
    %dma_wait3A_266 = arith.constant 0 : i32
    %dma_wait3A_267 = arith.constant 0 : i32
    %dma_wait3A_268 = arith.constant 0 : i32
    %dma_wait3A_269 = tpu.memref_slice %arg6[%dma_wait3A_265, %dma_wait3A_267, %dma_wait3A_268] : memref<2x64x768xf32, #tpu.memory_space<vmem>> -> memref<1x64x768xf32, #tpu.memory_space<vmem>>
    %dma_wait3A_270 = tpu.memref_squeeze %dma_wait3A_269 : memref<1x64x768xf32, #tpu.memory_space<vmem>> -> memref<64x768xf32, #tpu.memory_space<vmem>>
    %dma_wait3A_271 = arith.constant 0 : i32
    %dma_wait3A_272 = tpu.memref_slice %arg4[%add3A_248, %dma_wait3A_266, %dma_wait3A_271] : memref<16384x1x768xf32, #tpu.memory_space<hbm>> -> memref<64x1x768xf32, #tpu.memory_space<hbm>>
    %dma_wait3A_273 = tpu.memref_squeeze %dma_wait3A_272 : memref<64x1x768xf32, #tpu.memory_space<hbm>> -> memref<64x768xf32, #tpu.memory_space<hbm>>
    %dma_wait3A_274 = arith.constant 0 : i32
    %dma_wait3A_275 = tpu.memref_slice %arg4[%add3A_248, %dma_wait3A_266, %dma_wait3A_274] : memref<16384x1x768xf32, #tpu.memory_space<hbm>> -> memref<64x1x768xf32, #tpu.memory_space<hbm>>
    %dma_wait3A_276 = tpu.memref_squeeze %dma_wait3A_275 : memref<64x1x768xf32, #tpu.memory_space<hbm>> -> memref<64x768xf32, #tpu.memory_space<hbm>>
    %dma_wait3A_277 = arith.constant 0 : i32
    %dma_wait3A_278 = arith.constant 0 : i32
    %dma_wait3A_279 = tpu.memref_slice %arg6[%dma_wait3A_265, %dma_wait3A_277, %dma_wait3A_278] : memref<2x64x768xf32, #tpu.memory_space<vmem>> -> memref<1x64x768xf32, #tpu.memory_space<vmem>>
    %dma_wait3A_280 = tpu.memref_squeeze %dma_wait3A_279 : memref<1x64x768xf32, #tpu.memory_space<vmem>> -> memref<64x768xf32, #tpu.memory_space<vmem>>
    tpu.wait_dma2 semaphore(%arg9 : memref<!tpu.dma_semaphore, #tpu.memory_space<semaphore_mem>>) src(%dma_wait3A_280 : memref<64x768xf32, #tpu.memory_space<vmem>>) dst(%dma_wait3A_276 : memref<64x768xf32, #tpu.memory_space<hbm>>)
    %dma_start3A_281 = arith.constant 0 : i32
    %dma_start3A_282 = arith.constant 0 : i32
    %dma_start3A_283 = arith.constant 0 : i32
    %dma_start3A_284 = tpu.memref_slice %arg6[%dma_start3A_281, %dma_start3A_282, %dma_start3A_283] : memref<2x64x768xf32, #tpu.memory_space<vmem>> -> memref<1x64x768xf32, #tpu.memory_space<vmem>>
    %dma_start3A_285 = tpu.memref_squeeze %dma_start3A_284 : memref<1x64x768xf32, #tpu.memory_space<vmem>> -> memref<64x768xf32, #tpu.memory_space<vmem>>
    %dma_start3A_286 = arith.constant 384 : i32
    %dma_start3A_287 = tpu.memref_slice %arg5[%dma_start3A_286] : memref<512xi32, #tpu.memory_space<vmem>> -> memref<64xi32, #tpu.memory_space<vmem>>
    %dma_start3A_288 = arith.constant 0 : i32
    %dma_start3A_289 = arith.constant 0 : i32
    %dma_start3A_290 = tpu.memref_slice %arg2[%dma_start3A_288, %dma_start3A_289] : memref<100000x768xf32, #tpu.memory_space<hbm>> -> memref<100000x768xf32, #tpu.memory_space<hbm>>
    tpu.enqueue_indirect_dma source(%dma_start3A_290 : memref<100000x768xf32, #tpu.memory_space<hbm>>) target(%dma_start3A_285 : memref<64x768xf32, #tpu.memory_space<vmem>>) offsets(%dma_start3A_287 : memref<64xi32, #tpu.memory_space<vmem>>) semaphore(%arg7 : memref<!tpu.dma_semaphore, #tpu.memory_space<semaphore_mem>>)
    %dma_wait3A_291 = arith.constant 1 : i32
    %dma_wait3A_292 = arith.constant 0 : i32
    %dma_wait3A_293 = arith.constant 0 : i32
    %dma_wait3A_294 = tpu.memref_slice %arg6[%dma_wait3A_291, %dma_wait3A_292, %dma_wait3A_293] : memref<2x64x768xf32, #tpu.memory_space<vmem>> -> memref<1x64x768xf32, #tpu.memory_space<vmem>>
    %dma_wait3A_295 = tpu.memref_squeeze %dma_wait3A_294 : memref<1x64x768xf32, #tpu.memory_space<vmem>> -> memref<64x768xf32, #tpu.memory_space<vmem>>
    %dma_wait3A_296 = arith.constant 320 : i32
    %dma_wait3A_297 = tpu.memref_slice %arg5[%dma_wait3A_296] : memref<512xi32, #tpu.memory_space<vmem>> -> memref<64xi32, #tpu.memory_space<vmem>>
    %dma_wait3A_298 = arith.constant 0 : i32
    %dma_wait3A_299 = arith.constant 0 : i32
    %dma_wait3A_300 = tpu.memref_slice %arg2[%dma_wait3A_298, %dma_wait3A_299] : memref<100000x768xf32, #tpu.memory_space<hbm>> -> memref<100000x768xf32, #tpu.memory_space<hbm>>
    tpu.wait_indirect_dma semaphore(%arg8 : memref<!tpu.dma_semaphore, #tpu.memory_space<semaphore_mem>>) src(%dma_wait3A_300 : memref<100000x768xf32, #tpu.memory_space<hbm>>) dst(%dma_wait3A_295 : memref<64x768xf32, #tpu.memory_space<vmem>>)
    %add3A_301 = arith.constant 320 : i32
    %add3A_302 = arith.addi %mul3A_2, %add3A_301 : i32
    %dma_start3A_303 = arith.constant 1 : i32
    %dma_start3A_304 = arith.constant 0 : i32
    %dma_start3A_305 = arith.constant 0 : i32
    %dma_start3A_306 = arith.constant 0 : i32
    %dma_start3A_307 = tpu.memref_slice %arg6[%dma_start3A_303, %dma_start3A_305, %dma_start3A_306] : memref<2x64x768xf32, #tpu.memory_space<vmem>> -> memref<1x64x768xf32, #tpu.memory_space<vmem>>
    %dma_start3A_308 = tpu.memref_squeeze %dma_start3A_307 : memref<1x64x768xf32, #tpu.memory_space<vmem>> -> memref<64x768xf32, #tpu.memory_space<vmem>>
    %dma_start3A_309 = arith.constant 0 : i32
    %dma_start3A_310 = tpu.memref_slice %arg4[%add3A_302, %dma_start3A_304, %dma_start3A_309] : memref<16384x1x768xf32, #tpu.memory_space<hbm>> -> memref<64x1x768xf32, #tpu.memory_space<hbm>>
    %dma_start3A_311 = tpu.memref_squeeze %dma_start3A_310 : memref<64x1x768xf32, #tpu.memory_space<hbm>> -> memref<64x768xf32, #tpu.memory_space<hbm>>
    %dma_start3A_312 = arith.constant 0 : i32
    %dma_start3A_313 = tpu.memref_slice %arg4[%add3A_302, %dma_start3A_304, %dma_start3A_312] : memref<16384x1x768xf32, #tpu.memory_space<hbm>> -> memref<64x1x768xf32, #tpu.memory_space<hbm>>
    %dma_start3A_314 = tpu.memref_squeeze %dma_start3A_313 : memref<64x1x768xf32, #tpu.memory_space<hbm>> -> memref<64x768xf32, #tpu.memory_space<hbm>>
    %dma_start3A_315 = arith.constant 0 : i32
    %dma_start3A_316 = arith.constant 0 : i32
    %dma_start3A_317 = tpu.memref_slice %arg6[%dma_start3A_303, %dma_start3A_315, %dma_start3A_316] : memref<2x64x768xf32, #tpu.memory_space<vmem>> -> memref<1x64x768xf32, #tpu.memory_space<vmem>>
    %dma_start3A_318 = tpu.memref_squeeze %dma_start3A_317 : memref<1x64x768xf32, #tpu.memory_space<vmem>> -> memref<64x768xf32, #tpu.memory_space<vmem>>
    tpu.enqueue_dma source(%dma_start3A_318 : memref<64x768xf32, #tpu.memory_space<vmem>>) target(%dma_start3A_314 : memref<64x768xf32, #tpu.memory_space<hbm>>) target_semaphore(%arg10 : memref<!tpu.dma_semaphore, #tpu.memory_space<semaphore_mem>>)
    %dma_wait3A_319 = arith.constant 1 : i32
    %dma_wait3A_320 = arith.constant 0 : i32
    %dma_wait3A_321 = arith.constant 0 : i32
    %dma_wait3A_322 = arith.constant 0 : i32
    %dma_wait3A_323 = tpu.memref_slice %arg6[%dma_wait3A_319, %dma_wait3A_321, %dma_wait3A_322] : memref<2x64x768xf32, #tpu.memory_space<vmem>> -> memref<1x64x768xf32, #tpu.memory_space<vmem>>
    %dma_wait3A_324 = tpu.memref_squeeze %dma_wait3A_323 : memref<1x64x768xf32, #tpu.memory_space<vmem>> -> memref<64x768xf32, #tpu.memory_space<vmem>>
    %dma_wait3A_325 = arith.constant 0 : i32
    %dma_wait3A_326 = tpu.memref_slice %arg4[%add3A_302, %dma_wait3A_320, %dma_wait3A_325] : memref<16384x1x768xf32, #tpu.memory_space<hbm>> -> memref<64x1x768xf32, #tpu.memory_space<hbm>>
    %dma_wait3A_327 = tpu.memref_squeeze %dma_wait3A_326 : memref<64x1x768xf32, #tpu.memory_space<hbm>> -> memref<64x768xf32, #tpu.memory_space<hbm>>
    %dma_wait3A_328 = arith.constant 0 : i32
    %dma_wait3A_329 = tpu.memref_slice %arg4[%add3A_302, %dma_wait3A_320, %dma_wait3A_328] : memref<16384x1x768xf32, #tpu.memory_space<hbm>> -> memref<64x1x768xf32, #tpu.memory_space<hbm>>
    %dma_wait3A_330 = tpu.memref_squeeze %dma_wait3A_329 : memref<64x1x768xf32, #tpu.memory_space<hbm>> -> memref<64x768xf32, #tpu.memory_space<hbm>>
    %dma_wait3A_331 = arith.constant 0 : i32
    %dma_wait3A_332 = arith.constant 0 : i32
    %dma_wait3A_333 = tpu.memref_slice %arg6[%dma_wait3A_319, %dma_wait3A_331, %dma_wait3A_332] : memref<2x64x768xf32, #tpu.memory_space<vmem>> -> memref<1x64x768xf32, #tpu.memory_space<vmem>>
    %dma_wait3A_334 = tpu.memref_squeeze %dma_wait3A_333 : memref<1x64x768xf32, #tpu.memory_space<vmem>> -> memref<64x768xf32, #tpu.memory_space<vmem>>
    tpu.wait_dma2 semaphore(%arg10 : memref<!tpu.dma_semaphore, #tpu.memory_space<semaphore_mem>>) src(%dma_wait3A_334 : memref<64x768xf32, #tpu.memory_space<vmem>>) dst(%dma_wait3A_330 : memref<64x768xf32, #tpu.memory_space<hbm>>)
    %dma_start3A_335 = arith.constant 1 : i32
    %dma_start3A_336 = arith.constant 0 : i32
    %dma_start3A_337 = arith.constant 0 : i32
    %dma_start3A_338 = tpu.memref_slice %arg6[%dma_start3A_335, %dma_start3A_336, %dma_start3A_337] : memref<2x64x768xf32, #tpu.memory_space<vmem>> -> memref<1x64x768xf32, #tpu.memory_space<vmem>>
    %dma_start3A_339 = tpu.memref_squeeze %dma_start3A_338 : memref<1x64x768xf32, #tpu.memory_space<vmem>> -> memref<64x768xf32, #tpu.memory_space<vmem>>
    %dma_start3A_340 = arith.constant 448 : i32
    %dma_start3A_341 = tpu.memref_slice %arg5[%dma_start3A_340] : memref<512xi32, #tpu.memory_space<vmem>> -> memref<64xi32, #tpu.memory_space<vmem>>
    %dma_start3A_342 = arith.constant 0 : i32
    %dma_start3A_343 = arith.constant 0 : i32
    %dma_start3A_344 = tpu.memref_slice %arg2[%dma_start3A_342, %dma_start3A_343] : memref<100000x768xf32, #tpu.memory_space<hbm>> -> memref<100000x768xf32, #tpu.memory_space<hbm>>
    tpu.enqueue_indirect_dma source(%dma_start3A_344 : memref<100000x768xf32, #tpu.memory_space<hbm>>) target(%dma_start3A_339 : memref<64x768xf32, #tpu.memory_space<vmem>>) offsets(%dma_start3A_341 : memref<64xi32, #tpu.memory_space<vmem>>) semaphore(%arg8 : memref<!tpu.dma_semaphore, #tpu.memory_space<semaphore_mem>>)
    %dma_wait3A_345 = arith.constant 0 : i32
    %dma_wait3A_346 = arith.constant 0 : i32
    %dma_wait3A_347 = arith.constant 0 : i32
    %dma_wait3A_348 = tpu.memref_slice %arg6[%dma_wait3A_345, %dma_wait3A_346, %dma_wait3A_347] : memref<2x64x768xf32, #tpu.memory_space<vmem>> -> memref<1x64x768xf32, #tpu.memory_space<vmem>>
    %dma_wait3A_349 = tpu.memref_squeeze %dma_wait3A_348 : memref<1x64x768xf32, #tpu.memory_space<vmem>> -> memref<64x768xf32, #tpu.memory_space<vmem>>
    %dma_wait3A_350 = arith.constant 384 : i32
    %dma_wait3A_351 = tpu.memref_slice %arg5[%dma_wait3A_350] : memref<512xi32, #tpu.memory_space<vmem>> -> memref<64xi32, #tpu.memory_space<vmem>>
    %dma_wait3A_352 = arith.constant 0 : i32
    %dma_wait3A_353 = arith.constant 0 : i32
    %dma_wait3A_354 = tpu.memref_slice %arg2[%dma_wait3A_352, %dma_wait3A_353] : memref<100000x768xf32, #tpu.memory_space<hbm>> -> memref<100000x768xf32, #tpu.memory_space<hbm>>
    tpu.wait_indirect_dma semaphore(%arg7 : memref<!tpu.dma_semaphore, #tpu.memory_space<semaphore_mem>>) src(%dma_wait3A_354 : memref<100000x768xf32, #tpu.memory_space<hbm>>) dst(%dma_wait3A_349 : memref<64x768xf32, #tpu.memory_space<vmem>>)
    %add3A_355 = arith.constant 384 : i32
    %add3A_356 = arith.addi %mul3A_2, %add3A_355 : i32
    %dma_start3A_357 = arith.constant 0 : i32
    %dma_start3A_358 = arith.constant 0 : i32
    %dma_start3A_359 = arith.constant 0 : i32
    %dma_start3A_360 = arith.constant 0 : i32
    %dma_start3A_361 = tpu.memref_slice %arg6[%dma_start3A_357, %dma_start3A_359, %dma_start3A_360] : memref<2x64x768xf32, #tpu.memory_space<vmem>> -> memref<1x64x768xf32, #tpu.memory_space<vmem>>
    %dma_start3A_362 = tpu.memref_squeeze %dma_start3A_361 : memref<1x64x768xf32, #tpu.memory_space<vmem>> -> memref<64x768xf32, #tpu.memory_space<vmem>>
    %dma_start3A_363 = arith.constant 0 : i32
    %dma_start3A_364 = tpu.memref_slice %arg4[%add3A_356, %dma_start3A_358, %dma_start3A_363] : memref<16384x1x768xf32, #tpu.memory_space<hbm>> -> memref<64x1x768xf32, #tpu.memory_space<hbm>>
    %dma_start3A_365 = tpu.memref_squeeze %dma_start3A_364 : memref<64x1x768xf32, #tpu.memory_space<hbm>> -> memref<64x768xf32, #tpu.memory_space<hbm>>
    %dma_start3A_366 = arith.constant 0 : i32
    %dma_start3A_367 = tpu.memref_slice %arg4[%add3A_356, %dma_start3A_358, %dma_start3A_366] : memref<16384x1x768xf32, #tpu.memory_space<hbm>> -> memref<64x1x768xf32, #tpu.memory_space<hbm>>
    %dma_start3A_368 = tpu.memref_squeeze %dma_start3A_367 : memref<64x1x768xf32, #tpu.memory_space<hbm>> -> memref<64x768xf32, #tpu.memory_space<hbm>>
    %dma_start3A_369 = arith.constant 0 : i32
    %dma_start3A_370 = arith.constant 0 : i32
    %dma_start3A_371 = tpu.memref_slice %arg6[%dma_start3A_357, %dma_start3A_369, %dma_start3A_370] : memref<2x64x768xf32, #tpu.memory_space<vmem>> -> memref<1x64x768xf32, #tpu.memory_space<vmem>>
    %dma_start3A_372 = tpu.memref_squeeze %dma_start3A_371 : memref<1x64x768xf32, #tpu.memory_space<vmem>> -> memref<64x768xf32, #tpu.memory_space<vmem>>
    tpu.enqueue_dma source(%dma_start3A_372 : memref<64x768xf32, #tpu.memory_space<vmem>>) target(%dma_start3A_368 : memref<64x768xf32, #tpu.memory_space<hbm>>) target_semaphore(%arg9 : memref<!tpu.dma_semaphore, #tpu.memory_space<semaphore_mem>>)
    %dma_wait3A_373 = arith.constant 1 : i32
    %dma_wait3A_374 = arith.constant 0 : i32
    %dma_wait3A_375 = arith.constant 0 : i32
    %dma_wait3A_376 = tpu.memref_slice %arg6[%dma_wait3A_373, %dma_wait3A_374, %dma_wait3A_375] : memref<2x64x768xf32, #tpu.memory_space<vmem>> -> memref<1x64x768xf32, #tpu.memory_space<vmem>>
    %dma_wait3A_377 = tpu.memref_squeeze %dma_wait3A_376 : memref<1x64x768xf32, #tpu.memory_space<vmem>> -> memref<64x768xf32, #tpu.memory_space<vmem>>
    %dma_wait3A_378 = arith.constant 448 : i32
    %dma_wait3A_379 = tpu.memref_slice %arg5[%dma_wait3A_378] : memref<512xi32, #tpu.memory_space<vmem>> -> memref<64xi32, #tpu.memory_space<vmem>>
    %dma_wait3A_380 = arith.constant 0 : i32
    %dma_wait3A_381 = arith.constant 0 : i32
    %dma_wait3A_382 = tpu.memref_slice %arg2[%dma_wait3A_380, %dma_wait3A_381] : memref<100000x768xf32, #tpu.memory_space<hbm>> -> memref<100000x768xf32, #tpu.memory_space<hbm>>
    tpu.wait_indirect_dma semaphore(%arg8 : memref<!tpu.dma_semaphore, #tpu.memory_space<semaphore_mem>>) src(%dma_wait3A_382 : memref<100000x768xf32, #tpu.memory_space<hbm>>) dst(%dma_wait3A_377 : memref<64x768xf32, #tpu.memory_space<vmem>>)
    %add3A_383 = arith.constant 448 : i32
    %add3A_384 = arith.addi %mul3A_2, %add3A_383 : i32
    %dma_start3A_385 = arith.constant 1 : i32
    %dma_start3A_386 = arith.constant 0 : i32
    %dma_start3A_387 = arith.constant 0 : i32
    %dma_start3A_388 = arith.constant 0 : i32
    %dma_start3A_389 = tpu.memref_slice %arg6[%dma_start3A_385, %dma_start3A_387, %dma_start3A_388] : memref<2x64x768xf32, #tpu.memory_space<vmem>> -> memref<1x64x768xf32, #tpu.memory_space<vmem>>
    %dma_start3A_390 = tpu.memref_squeeze %dma_start3A_389 : memref<1x64x768xf32, #tpu.memory_space<vmem>> -> memref<64x768xf32, #tpu.memory_space<vmem>>
    %dma_start3A_391 = arith.constant 0 : i32
    %dma_start3A_392 = tpu.memref_slice %arg4[%add3A_384, %dma_start3A_386, %dma_start3A_391] : memref<16384x1x768xf32, #tpu.memory_space<hbm>> -> memref<64x1x768xf32, #tpu.memory_space<hbm>>
    %dma_start3A_393 = tpu.memref_squeeze %dma_start3A_392 : memref<64x1x768xf32, #tpu.memory_space<hbm>> -> memref<64x768xf32, #tpu.memory_space<hbm>>
    %dma_start3A_394 = arith.constant 0 : i32
    %dma_start3A_395 = tpu.memref_slice %arg4[%add3A_384, %dma_start3A_386, %dma_start3A_394] : memref<16384x1x768xf32, #tpu.memory_space<hbm>> -> memref<64x1x768xf32, #tpu.memory_space<hbm>>
    %dma_start3A_396 = tpu.memref_squeeze %dma_start3A_395 : memref<64x1x768xf32, #tpu.memory_space<hbm>> -> memref<64x768xf32, #tpu.memory_space<hbm>>
    %dma_start3A_397 = arith.constant 0 : i32
    %dma_start3A_398 = arith.constant 0 : i32
    %dma_start3A_399 = tpu.memref_slice %arg6[%dma_start3A_385, %dma_start3A_397, %dma_start3A_398] : memref<2x64x768xf32, #tpu.memory_space<vmem>> -> memref<1x64x768xf32, #tpu.memory_space<vmem>>
    %dma_start3A_400 = tpu.memref_squeeze %dma_start3A_399 : memref<1x64x768xf32, #tpu.memory_space<vmem>> -> memref<64x768xf32, #tpu.memory_space<vmem>>
    tpu.enqueue_dma source(%dma_start3A_400 : memref<64x768xf32, #tpu.memory_space<vmem>>) target(%dma_start3A_396 : memref<64x768xf32, #tpu.memory_space<hbm>>) target_semaphore(%arg10 : memref<!tpu.dma_semaphore, #tpu.memory_space<semaphore_mem>>)
    %dma_wait3A_401 = arith.constant 0 : i32
    %dma_wait3A_402 = arith.constant 0 : i32
    %dma_wait3A_403 = arith.constant 0 : i32
    %dma_wait3A_404 = arith.constant 0 : i32
    %dma_wait3A_405 = tpu.memref_slice %arg6[%dma_wait3A_401, %dma_wait3A_403, %dma_wait3A_404] : memref<2x64x768xf32, #tpu.memory_space<vmem>> -> memref<1x64x768xf32, #tpu.memory_space<vmem>>
    %dma_wait3A_406 = tpu.memref_squeeze %dma_wait3A_405 : memref<1x64x768xf32, #tpu.memory_space<vmem>> -> memref<64x768xf32, #tpu.memory_space<vmem>>
    %dma_wait3A_407 = arith.constant 0 : i32
    %dma_wait3A_408 = tpu.memref_slice %arg4[%add3A_356, %dma_wait3A_402, %dma_wait3A_407] : memref<16384x1x768xf32, #tpu.memory_space<hbm>> -> memref<64x1x768xf32, #tpu.memory_space<hbm>>
    %dma_wait3A_409 = tpu.memref_squeeze %dma_wait3A_408 : memref<64x1x768xf32, #tpu.memory_space<hbm>> -> memref<64x768xf32, #tpu.memory_space<hbm>>
    %dma_wait3A_410 = arith.constant 0 : i32
    %dma_wait3A_411 = tpu.memref_slice %arg4[%add3A_356, %dma_wait3A_402, %dma_wait3A_410] : memref<16384x1x768xf32, #tpu.memory_space<hbm>> -> memref<64x1x768xf32, #tpu.memory_space<hbm>>
    %dma_wait3A_412 = tpu.memref_squeeze %dma_wait3A_411 : memref<64x1x768xf32, #tpu.memory_space<hbm>> -> memref<64x768xf32, #tpu.memory_space<hbm>>
    %dma_wait3A_413 = arith.constant 0 : i32
    %dma_wait3A_414 = arith.constant 0 : i32
    %dma_wait3A_415 = tpu.memref_slice %arg6[%dma_wait3A_401, %dma_wait3A_413, %dma_wait3A_414] : memref<2x64x768xf32, #tpu.memory_space<vmem>> -> memref<1x64x768xf32, #tpu.memory_space<vmem>>
    %dma_wait3A_416 = tpu.memref_squeeze %dma_wait3A_415 : memref<1x64x768xf32, #tpu.memory_space<vmem>> -> memref<64x768xf32, #tpu.memory_space<vmem>>
    tpu.wait_dma2 semaphore(%arg9 : memref<!tpu.dma_semaphore, #tpu.memory_space<semaphore_mem>>) src(%dma_wait3A_416 : memref<64x768xf32, #tpu.memory_space<vmem>>) dst(%dma_wait3A_412 : memref<64x768xf32, #tpu.memory_space<hbm>>)
    %dma_wait3A_417 = arith.constant 1 : i32
    %dma_wait3A_418 = arith.constant 0 : i32
    %dma_wait3A_419 = arith.constant 0 : i32
    %dma_wait3A_420 = arith.constant 0 : i32
    %dma_wait3A_421 = tpu.memref_slice %arg6[%dma_wait3A_417, %dma_wait3A_419, %dma_wait3A_420] : memref<2x64x768xf32, #tpu.memory_space<vmem>> -> memref<1x64x768xf32, #tpu.memory_space<vmem>>
    %dma_wait3A_422 = tpu.memref_squeeze %dma_wait3A_421 : memref<1x64x768xf32, #tpu.memory_space<vmem>> -> memref<64x768xf32, #tpu.memory_space<vmem>>
    %dma_wait3A_423 = arith.constant 0 : i32
    %dma_wait3A_424 = tpu.memref_slice %arg4[%add3A_384, %dma_wait3A_418, %dma_wait3A_423] : memref<16384x1x768xf32, #tpu.memory_space<hbm>> -> memref<64x1x768xf32, #tpu.memory_space<hbm>>
    %dma_wait3A_425 = tpu.memref_squeeze %dma_wait3A_424 : memref<64x1x768xf32, #tpu.memory_space<hbm>> -> memref<64x768xf32, #tpu.memory_space<hbm>>
    %dma_wait3A_426 = arith.constant 0 : i32
    %dma_wait3A_427 = tpu.memref_slice %arg4[%add3A_384, %dma_wait3A_418, %dma_wait3A_426] : memref<16384x1x768xf32, #tpu.memory_space<hbm>> -> memref<64x1x768xf32, #tpu.memory_space<hbm>>
    %dma_wait3A_428 = tpu.memref_squeeze %dma_wait3A_427 : memref<64x1x768xf32, #tpu.memory_space<hbm>> -> memref<64x768xf32, #tpu.memory_space<hbm>>
    %dma_wait3A_429 = arith.constant 0 : i32
    %dma_wait3A_430 = arith.constant 0 : i32
    %dma_wait3A_431 = tpu.memref_slice %arg6[%dma_wait3A_417, %dma_wait3A_429, %dma_wait3A_430] : memref<2x64x768xf32, #tpu.memory_space<vmem>> -> memref<1x64x768xf32, #tpu.memory_space<vmem>>
    %dma_wait3A_432 = tpu.memref_squeeze %dma_wait3A_431 : memref<1x64x768xf32, #tpu.memory_space<vmem>> -> memref<64x768xf32, #tpu.memory_space<vmem>>
    tpu.wait_dma2 semaphore(%arg10 : memref<!tpu.dma_semaphore, #tpu.memory_space<semaphore_mem>>) src(%dma_wait3A_432 : memref<64x768xf32, #tpu.memory_space<vmem>>) dst(%dma_wait3A_428 : memref<64x768xf32, #tpu.memory_space<hbm>>)
    return
  }
}

</mosaic_0001>

<sc_bundles>
// kernel: kernel.3.cloned.1.call-start
scs
__scs_entry_jumppad:
0x0: {  	(pc) =	sbr.rel $0x88, $3  }
0x1: {  	(tag) =	ssettag $0x0;
	lr =	simm.s32 $0x1  }
0x2: {  	[smem:$0x3F9F] =	sst lr;
	_ =	strace $0xD0000000  }
0x3: {  	_ = 	snop  }
0x4: {  	_ = 	snop  }
0x5: {  	_ = 	snop  }
0x6: {  	_ = 	snop  }
0x7: {  	_ = 	snop  }
__scs_overlays_trampoline_lowered:
0x8: {  	[smem:$0x3FAE] =	sst s0  }
0x9: {  	[smem:$0x3FAF] =	sst s1  }
0xa: {  	[smem:$0x3FB0] =	sst s2  }
0xb: {  	[smem:$0x3FB1] =	sst s3  }
0xc: {  	[smem:$0x3FB2] =	sst s4  }
0xd: {  	[smem:$0x3FB3] =	sst s5  }
0xe: {  	[smem:$0x3FB4] =	sst s6  }
0xf: {  	[smem:$0x3FB5] =	sst s7  }
0x10: {  	[smem:$0x3FB6] =	sst s8  }
0x11: {  	[smem:$0x3FB7] =	sst s9;
	s0 =	simm.s32 @!p0 $0x0  }
0x12: {  	s1 =	sld [smem:$0x3F9D];
	s0 =	simm.s32 @p0 $0x1  }
0x13: {  	[smem:$0x3FB8] =	sst s0;
	s0 =	simm.s32 @!p1 $0x0  }
0x14: {  	s2 =	sld [smem:$0x3F9C];
	s0 =	simm.s32 @p1 $0x1  }
0x15: {  	[smem:$0x3FB9] =	sst s0;
	s0 =	simm.s32 @!p2 $0x0  }
0x16: {  	s3 =	sld [smem:$0x3FDB];
	s0 =	simm.s32 @p2 $0x1  }
0x17: {  	s4 =	simm.s32 $0x1BF5;
	[smem:$0x3FBB] =	sst s0  }
0x18: {  	s0 =	sld [smem:$0x3F9E];
	_ =	swait.ge [sflag:s4], $0x0  }
0x19: {  	s7 =	sld [smem:$0x3F9F]  }
0x1a: {  	s8 =	sadd.s32 $0xFFFFE003, lr  }
0x1b: {  	s9 =	sadd.s32 $0xFFFFFEF7, lr;
	s5 =	simm.s32 $0xFFFFFFFF;
	p2 =	slt.u32 s8, $0xFFFFF086  }
0x1c: {  	p1 =	slt.u32 s9, $0xF7A;
	s5 =	simm.s32 @!p2 $0x0  }
0x1d: {  	s5 =	simm.s32 @p1 $0x1;
	p0 =	seq.s32 s7, s2  }
0x1e: {  	s7 =	smul.u32 @!p0 $0xF7A, s2;
	p2 =	seq.s32 @!p0 s5, $0x0  }
0x1f: {  	s9 =	smul.u32 $0xF7A, s1;
	s8 =	simm.s32 @!p0 $0x1BF5;
	p2 =	por !p2, p0  }
0x20: {  	[sflag:s8] =	ssyncset.s32 @!p0 $0xFFFFF086;
	s6 =	sadd.s32 @!p0 s3, s7;
	s7 =	simm.s32 @!p0 $0x108  }
0x21: {  	s3 =	sadd.s32 s3, s9;
	s6 =	sadd.s32 @!p0 $0x88, s6;
	s7 =	simm.s32 @p2 $0x1082  }
0x22: {  	[simem:s7], [sflag:s8] =	dma.local @!p0 [hbm:s6], $0xF7A  }
0x23: {  	s9 =	sor.u32 $0xD0000000, s2;
	s6 =	simm.s32 $0x108;
	_ =	swait.ge @!p0 [sflag:s8], $0x0  }
0x24: {  	s3 =	sadd.s32 $0x88, s3;
	s6 =	simm.s32 @!p1 $0x1082;
	[sflag:s4] =	ssyncset.s32 $0xFFFFF086  }
0x25: {  	[simem:s6], [sflag:s4] =	dma.local [hbm:s3], $0xF7A  }
0x26: {  	[smem:$0x3F9F] =	sst s1;
	(tag) =	ssettag s2;
	_ =	strace s9  }
0x27: {  	s1 =	sld [smem:$0x3FAF]  }
0x28: {  	s2 =	sld [smem:$0x3FB0]  }
0x29: {  	s4 =	sld [smem:$0x3FB2]  }
0x2a: {  	p0 =	seq.s32 s5, $0x0;
	s5 =	sld [smem:$0x3FB3]  }
0x2b: {  	s6 =	sld [smem:$0x3FB4]  }
0x2c: {  	s7 =	sld [smem:$0x3FB5]  }
0x2d: {  	s3 =	simm.s32 $0x108;
	s8 =	sld [smem:$0x3FB6]  }
0x2e: {  	s3 =	simm.s32 @!p0 $0x1082;
	s9 =	sld [smem:$0x3FB7]  }
0x2f: {  	lr =	sadd.s32 s0, s3;
	s0 =	sld [smem:$0x3FAE]  }
0x30: {  	s3 =	sld [smem:$0x3FB1]  }
0x31: {  	[smem:$0x3FBA] =	sst s10  }
0x32: {  	s10 =	sld [smem:$0x3FB8];
	_ =	sdelay $0x3  }
0x33: {  	p0 =	seq.s32 s10, $0x1;
	s10 =	sld [smem:$0x3FBA];
	_ =	sdelay $0x3  }
0x34: {  	[smem:$0x3FBA] =	sst s10  }
0x35: {  	s10 =	sld [smem:$0x3FB9];
	_ =	sdelay $0x3  }
0x36: {  	p1 =	seq.s32 s10, $0x1;
	s10 =	sld [smem:$0x3FBA];
	_ =	sdelay $0x3  }
0x37: {  	[smem:$0x3FBA] =	sst s10  }
0x38: {  	s10 =	sld [smem:$0x3FBB]  }
0x39: {  	_ = 	snop;
	(pc) =	sbr.ind lr, $3  }
0x3a: {  	_ = 	snop  }
0x3b: {  	_ = 	snop  }
0x3c: {  	p2 =	seq.s32 s10, $0x1;
	s10 =	sld [smem:$0x3FBA]  }
0x3d: {  	_ =	shalt  }
0x3e: {  	_ =	shalt  }
0x3f: {  	_ =	shalt  }
0x40: {  	_ =	shalt  }
0x41: {  	_ =	shalt  }
0x42: {  	_ =	shalt  }
0x43: {  	_ =	shalt  }
0x44: {  	_ =	shalt  }
0x45: {  	_ =	shalt  }
0x46: {  	_ =	shalt  }
0x47: {  	_ =	shalt  }
0x48: {  	_ =	shalt  }
0x49: {  	_ =	shalt  }
0x4a: {  	_ =	shalt  }
0x4b: {  	_ =	shalt  }
0x4c: {  	_ =	shalt  }
0x4d: {  	_ =	shalt  }
0x4e: {  	_ =	shalt  }
0x4f: {  	_ =	shalt  }
0x50: {  	_ =	shalt  }
0x51: {  	_ =	shalt  }
0x52: {  	_ =	shalt  }
0x53: {  	_ =	shalt  }
0x54: {  	_ =	shalt  }
0x55: {  	_ =	shalt  }
0x56: {  	_ =	shalt  }
0x57: {  	_ =	shalt  }
0x58: {  	_ =	shalt  }
0x59: {  	_ =	shalt  }
0x5a: {  	_ =	shalt  }
0x5b: {  	_ =	shalt  }
0x5c: {  	_ =	shalt  }
0x5d: {  	_ =	shalt  }
0x5e: {  	_ =	shalt  }
0x5f: {  	_ =	shalt  }
0x60: {  	_ =	shalt  }
0x61: {  	_ =	shalt  }
0x62: {  	_ =	shalt  }
0x63: {  	_ =	shalt  }
0x64: {  	_ =	shalt  }
0x65: {  	_ =	shalt  }
0x66: {  	_ =	shalt  }
0x67: {  	_ =	shalt  }
0x68: {  	_ =	shalt  }
0x69: {  	_ =	shalt  }
0x6a: {  	_ =	shalt  }
0x6b: {  	_ =	shalt  }
0x6c: {  	_ =	shalt  }
0x6d: {  	_ =	shalt  }
0x6e: {  	_ =	shalt  }
0x6f: {  	_ =	shalt  }
0x70: {  	_ =	shalt  }
0x71: {  	_ =	shalt  }
0x72: {  	_ =	shalt  }
0x73: {  	_ =	shalt  }
0x74: {  	_ =	shalt  }
0x75: {  	_ =	shalt  }
0x76: {  	_ =	shalt  }
0x77: {  	_ =	shalt  }
0x78: {  	_ =	shalt  }
0x79: {  	_ =	shalt  }
0x7a: {  	_ =	shalt  }
0x7b: {  	_ =	shalt  }
0x7c: {  	_ =	shalt  }
0x7d: {  	_ =	shalt  }
0x7e: {  	_ =	shalt  }
0x7f: {  	_ =	shalt  }
0x80: {  	_ =	shalt  }
0x81: {  	_ =	shalt  }
0x82: {  	_ =	shalt  }
0x83: {  	_ =	shalt  }
0x84: {  	_ =	shalt  }
0x85: {  	_ =	shalt  }
0x86: {  	_ =	shalt  }
0x87: {  	_ =	shalt  }
.Lfunc_end0:
.L_simem_size_0:
called_computation_lowered:
.L_overlay_start_0:
0x88: {  	s2 =	sld [smem:$0x3FD9]  }
0x89: {  	s3 =	sld [smem:$0x3FFE];
	_ =	sdelay $0x1  }
0x8a: {  	s1 =	srdreg.scid  }
0x8b: {  	s0 =	sand.u32 $0x1, s1  }
0x8c: {  	s18 =	sshll.u32 s0, $0xA;
	s2 =	sadd.s32 s3, s2  }
0x8d: {  	s2 =	sadd.s32 s2, s18  }
0x8e: {  	[smem:$0x3FC6] =	sst s2  }
0x8f: {  	_ = 	snop  }
0x90: {  	s2 =	sld [smem:$0x3FC9]  }
0x91: {  	s19 =	sld [smem:$0x3FC8]  }
0x92: {  	s4 =	sld [smem:$0x3FD0];
	(tm) =	ssettm $0x1  }
0x93: {  	s5 =	sld [smem:$0x3FFB];
	_ =	sdelay $0x3  }
0x94: {  	_ =	strace s5  }
0x95: {  	s5 =	sld [smem:$0x3FFC];
	_ =	sdelay $0x3  }
0x96: {  	_ =	strace s5  }
0x97: {  	s5 =	sld [smem:$0x3FFD];
	_ =	sdelay $0x3  }
0x98: {  	_ =	strace s5  }
0x99: {  	_ =	strace $0x8FFFFFFF  }
0x9a: {  	s20 =	sld [smem:$0x3FDB];
	_ =	sdelay $0x1  }
0x9b: {  	s6 =	simm.s32 $_scs_section_size  }
0x9c: {  	s7 =	simm.s32 $_size__tile_overlayer_lowered;
	s8 =	simm.s32 $_tile_overlayer_lowered  }
0x9d: {  	s23 =	simm.s32 $0x1BFF;
	s22 =	sshll.u32 s8, $0x1;
	s5 =	sadd.s32 s6, s20  }
0x9e: {  	s9 =	simm.s32 $0x0;
	s21 =	sshll.u32 s7, $0x1;
	s7 =	sadd.s32 s22, s5  }
0x9f: {  	[timem:s9], [sflag:s23] =	dma.local [hbm:s7], s21  }
0xa0: {  	_ =	swait.ge [sflag:s23], s21  }
0xa1: {  	s6 =	ssub.s32 $0x0, s21;
	[sflag:s23] =	ssyncset.done $0x0  }
0xa2: {  	[sflag:s23] =	ssyncadd.s32 s6;
	_ =	sdelay $0x1  }
0xa3: {  	s24 =	simm.s32 $0x1B8B  }
0xa4: {  	_ =	swait.ge [sflag:s24], $0x1  }
0xa5: {  	[sflag:s24] =	ssyncset.done $0x0  }
0xa6: {  	s25 =	simm.s32 $0x1B8E;
	[sflag:s24] =	ssyncadd.s32 $0xFFFFFFFF  }
0xa7: {  	s26 =	simm.s32 $execute0_lowered;
	[smem:$0x3FD2] =	sst s25  }
0xa8: {  	s6 =	sshll.u32 s26, $0x1;
	_ =	strace $0x80000046;
	[dreg:$0x1] =	wrdreg $0xFFFFFFFF  }
0xa9: {  	s28 =	simm.s32 $_size_execute0_lowered;
	s5 =	sadd.s32 s5, s6;
	[dreg:$0x0] =	wrdreg $0x0  }
0xaa: {  	s6 =	sshll.u32 s28, $0x1;
	[dreg:$0x2] =	wrdreg s5  }
0xab: {  	[dreg:$0x3] =	wrdreg s6  }
0xac: {  	[dreg:$0x4] =	wrdreg $0xC0  }
0xad: {  	_ =	task [dreg:s9], $0x5FFFF  }
0xae: {  	[dreg:$0x1] =	wrdreg $0xFFFFFFFF  }
0xaf: {  	[dreg:$0x0] =	wrdreg $0x60  }
0xb0: {  	[dreg:$0x2] =	wrdreg s19  }
0xb1: {  	[dreg:$0x3] =	wrdreg s2  }
0xb2: {  	[dreg:$0x4] =	wrdreg s4  }
0xb3: {  	[dreg:$0x5] =	wrdreg $0x9  }
0xb4: {  	_ =	task.clear_ibuf [dreg:s9], $0x6FFFF;
	_ =	strace $0x90000046  }
0xb5: {  	s29 =	simm.s32 $0x9;
	_ =	strace $0x80000048  }
0xb6: {  	_ =	swait.ge [sflag:s29], $0x1  }
0xb7: {  	[sflag:s29] =	ssyncadd.s32 $0xFFFFFFFF  }
0xb8: {  	_ =	strace $0x90000048  }
0xb9: {  	_ =	sfence  }
0xba: {  	s30 =	sld [smem:$0x0];
	_ =	sdelay $0x2  }
0xbb: {  	s31 =	sshll.u32 s1, $0xD;
	s1 =	sshrl.u32 s1, $0x2  }
0xbc: {  	s3 =	sand.u32 $0x4000, s31;
	s1 =	sadd.s32 s1, s30  }
0xbd: {  	s0 =	sor.u32 s3, s0;
	s1 =	sshll.u32 s1, $0x11  }
0xbe: {  	s0 =	sor.u32 s1, s0  }
0xbf: {  	s0 =	sadd.s32 $0x8F2B, s0  }
0xc0: {  	[sflag:s0] =	ssyncadd.remote.s32 $0x1  }
0xc1: {  	_ =	sfence.sel $0xFFFF  }
0xc2: {  	[dreg:$0x0] =	wrdreg $0xFFFFFFFF;
	(pc) =	sbr.abs _section_cstart, $3  }
0xc3: {  	[dreg:$0x1] =	wrdreg $0xFFFFFFFF  }
0xc4: {  	_ =	task.clear_ibuf [dreg:s9], $0x2FFFF;
	_ =	strace $0x9FFFFFFF  }
0xc5: {  	(tm) =	ssettm $0x7FFFFFFF  }
tec
execute0_lowered:
.L_overlay_start_1:
0x0: {  	(tag) =	ssettag $0x1  }
0x1: {  	s1 =	rddreg [dreg:$0x0]  }
0x2: {  	s0 =	srdreg.scid;
	s2 =	rddreg [dreg:$0x1]  }
0x3: {  	s3 =	stileid.u32;
	s4 =	rddreg [dreg:$0x2]  }
0x4: {  	s21 =	simm.s32 $0x15200;
	s22 =	simm.s32 $0x15A00;
	s23 =	simm.s32 $0x16200  }
0x5: {  	s24 =	simm.s32 $0x16A00;
	s25 =	simm.s32 $0x17200;
	s28 =	simm.s32 $0x1  }
0x6: {  	s29 =	simm.s32 $0x80;
	s30 =	simm.s32 $0x300;
	s0 =	sand.u32 $0x1, s0  }
0x7: {  	s31 =	simm.s32 $0x3;
	s5 =	sshll.u32 s3, $0xA;
	s6 =	sshll.u32 s0, $0x9  }
0x8: {  	s3 =	simm.s32 $0x0;
	s0 =	ssub.s32 $0x2, s0;
	s5 =	sor.u32 s6, s5  }
0x9: {  	[smem:$0x7FF] =	sst s3;
	s7 =	sshrl.u32 s0, $0x1;
	s6 =	smul.u32 $0x60, s5  }
0xa: {  	_ =	strace $0x80000047;
	s8 =	sshrl.u32 s5, $0x3;
	s9 =	smul.u32 $0x300, s5  }
0xb: {  	s0 =	ssub.s32 s0, s7;
	s5 =	sadd.s32 $0x100, s1;
	s2 =	sadd.s32 s2, s8  }
0xc: {  	s7 =	sadd.s32 $0x200, s1;
	s0 =	smax.u32 s0, $0x1;
	[dreg:$0x4] =	wrdreg s2  }
0xd: {  	s6 =	sadd.s32 s4, s6;
	s26 =	sshrl.u32 s9, $0x3;
	[dreg:$0x5] =	wrdreg s0  }
0xe: {  	s0 =	simm.s32 $0x4;
	s8 =	sadd.s32 $0x1800, s6;
	s2 =	sadd.s32 s4, s26  }
0xf: {  	v2 =	vlaneseq.u32;
	s9 =	sadd.s32 $0x3000, s6;
	s26 =	simm.s32 $0x17A00;
	s4 =	simm.s32 $0x0  }
0x10: {  	vm0 =	vmmov $0xffff;
	v1 =	vshrl.u32 v2, $0x3;
	s10 =	sadd.s32 $0x4800, s2;
	s11 =	sadd.s32 $0x6000, s2;
	s12 =	sadd.s32 $0x7800, s2  }
0x11: {  	v0 =	vand.u32 $0x7, v2;
	v2 =	vor.u32 $0x8, v2;
	v1 =	vmul.u32 $0x8, v1;
	s13 =	sadd.s32 $0x9000, s2;
	s14 =	sadd.s32 $0xA800, s2;
	s2 =	simm.s32 $0x2  }
.LBB2_1:
0x12: {  	s15 =	rddreg [dreg:$0x4];
	s19 =	simm.s32 $0x5  }
0x13: {  	[tilespmem:s3], [sflag:$0x5] =	stream.linear.gather [hbm4b:s15+s3], $0x200, $0x38;
	[tilespmem:$0x18200] =	vst v63  }
0x14: {  	_ =	swait.ge [sflag:s19], $0x200  }
0x15: {  	[sflag:s19] =	ssyncset.done $0x0  }
0x16: {  	[sflag:s19] =	ssyncadd.s32 $0xFFFFFE00  }
0x17: {  	v3 =	vld [tilespmem:$0x0];
	_ =	sdelay $0x4  }
0x18: {  	v4 =	vshrl.u32 v3, $0x3  }
0x19: {  	v4 =	vmul.u32 $0x30, v4  }
0x1a: {  	v3 =	vand.u32 $0x7, v3  }
0x1b: {  	v3 =	vor.u32 v3, v4  }
0x1c: {  	v4 =	vperm.xlane v3, v0;
	_ =	sdelay $0x1  }
0x1d: {  	v4 =	vadd.s32 v1, v4;
	_ =	sdelay $0x3  }
0x1e: {  	s20 =	simm.s32 $0x200;
	v3 =	vperm.xlane v3, v2  }
0x1f: {  	[tilespmem:s20], [sflag:$0x1] =	stream.indirect_vreg.gather [hbm4b:s1+s3], $0x80, v4, vm0, $0xb8;
	[tilespmem:$0x18200] =	vst v63  }
0x20: {  	s16 =	simm.s32 $0xA00;
	v3 =	vadd.s32 v1, v3  }
0x21: {  	[tilespmem:s16], [sflag:$0x1] =	stream.indirect_vreg.gather [hbm4b:s5+s3], $0x80, v4, vm0, $0xb8;
	[tilespmem:$0x18200] =	vst v63  }
0x22: {  	s17 =	simm.s32 $0x1200  }
0x23: {  	[tilespmem:s17], [sflag:$0x1] =	stream.indirect_vreg.gather [hbm4b:s7+s3], $0x80, v4, vm0, $0xb8;
	[tilespmem:$0x18200] =	vst v63  }
0x24: {  	s18 =	simm.s32 $0x1A00  }
0x25: {  	[tilespmem:s18], [sflag:$0x1] =	stream.indirect_vreg.gather [hbm4b:s1+s3], $0x80, v3, vm0, $0xb8;
	[tilespmem:$0x18200] =	vst v63  }
0x26: {  	s19 =	simm.s32 $0x2200  }
0x27: {  	[tilespmem:s19], [sflag:$0x1] =	stream.indirect_vreg.gather [hbm4b:s5+s3], $0x80, v3, vm0, $0xb8;
	[tilespmem:$0x18200] =	vst v63  }
0x28: {  	s20 =	simm.s32 $0x2A00  }
0x29: {  	[tilespmem:s20], [sflag:$0x1] =	stream.indirect_vreg.gather [hbm4b:s7+s3], $0x80, v3, vm0, $0xb8;
	[tilespmem:$0x18200] =	vst v63  }
0x2a: {  	v3 =	vld [tilespmem:$0x10];
	_ =	sdelay $0x4  }
0x2b: {  	v57 =	vshrl.u32 v3, $0x3  }
0x2c: {  	v4 =	vmul.u32 $0x30, v57  }
0x2d: {  	v3 =	vand.u32 $0x7, v3  }
0x2e: {  	v3 =	vor.u32 v3, v4  }
0x2f: {  	v4 =	vperm.xlane v3, v0;
	_ =	sdelay $0x1  }
0x30: {  	v4 =	vadd.s32 v1, v4;
	_ =	sdelay $0x3  }
0x31: {  	s16 =	simm.s32 $0x3200;
	v3 =	vperm.xlane v3, v2  }
0x32: {  	[tilespmem:s16], [sflag:$0x1] =	stream.indirect_vreg.gather [hbm4b:s1+s3], $0x80, v4, vm0, $0xb8;
	[tilespmem:$0x18200] =	vst v63  }
0x33: {  	s17 =	simm.s32 $0x3A00;
	v3 =	vadd.s32 v1, v3  }
0x34: {  	[tilespmem:s17], [sflag:$0x1] =	stream.indirect_vreg.gather [hbm4b:s5+s3], $0x80, v4, vm0, $0xb8;
	[tilespmem:$0x18200] =	vst v63  }
0x35: {  	s18 =	simm.s32 $0x4200  }
0x36: {  	[tilespmem:s18], [sflag:$0x1] =	stream.indirect_vreg.gather [hbm4b:s7+s3], $0x80, v4, vm0, $0xb8;
	[tilespmem:$0x18200] =	vst v63  }
0x37: {  	s19 =	simm.s32 $0x4A00  }
0x38: {  	[tilespmem:s19], [sflag:$0x1] =	stream.indirect_vreg.gather [hbm4b:s1+s3], $0x80, v3, vm0, $0xb8;
	[tilespmem:$0x18200] =	vst v63  }
0x39: {  	s20 =	simm.s32 $0x5200  }
0x3a: {  	[tilespmem:s20], [sflag:$0x1] =	stream.indirect_vreg.gather [hbm4b:s5+s3], $0x80, v3, vm0, $0xb8;
	[tilespmem:$0x18200] =	vst v63  }
0x3b: {  	s16 =	simm.s32 $0x5A00  }
0x3c: {  	[tilespmem:s16], [sflag:$0x1] =	stream.indirect_vreg.gather [hbm4b:s7+s3], $0x80, v3, vm0, $0xb8;
	[tilespmem:$0x18200] =	vst v63  }
0x3d: {  	v3 =	vld [tilespmem:$0x20];
	_ =	sdelay $0x4  }
0x3e: {  	v58 =	vshrl.u32 v3, $0x3  }
0x3f: {  	v4 =	vmul.u32 $0x30, v58  }
0x40: {  	v3 =	vand.u32 $0x7, v3  }
0x41: {  	v3 =	vor.u32 v3, v4  }
0x42: {  	v4 =	vperm.xlane v3, v0;
	_ =	sdelay $0x1  }
0x43: {  	v4 =	vadd.s32 v1, v4;
	_ =	sdelay $0x3  }
0x44: {  	s17 =	simm.s32 $0x6200;
	v3 =	vperm.xlane v3, v2  }
0x45: {  	[tilespmem:s17], [sflag:$0x1] =	stream.indirect_vreg.gather [hbm4b:s1+s3], $0x80, v4, vm0, $0xb8;
	[tilespmem:$0x18200] =	vst v63  }
0x46: {  	s18 =	simm.s32 $0x6A00;
	v3 =	vadd.s32 v1, v3  }
0x47: {  	[tilespmem:s18], [sflag:$0x1] =	stream.indirect_vreg.gather [hbm4b:s5+s3], $0x80, v4, vm0, $0xb8;
	[tilespmem:$0x18200] =	vst v63  }
0x48: {  	s19 =	simm.s32 $0x7200  }
0x49: {  	[tilespmem:s19], [sflag:$0x1] =	stream.indirect_vreg.gather [hbm4b:s7+s3], $0x80, v4, vm0, $0xb8;
	[tilespmem:$0x18200] =	vst v63  }
0x4a: {  	s20 =	simm.s32 $0x7A00  }
0x4b: {  	[tilespmem:s20], [sflag:$0x1] =	stream.indirect_vreg.gather [hbm4b:s1+s3], $0x80, v3, vm0, $0xb8;
	[tilespmem:$0x18200] =	vst v63  }
0x4c: {  	s16 =	simm.s32 $0x8200  }
0x4d: {  	[tilespmem:s16], [sflag:$0x1] =	stream.indirect_vreg.gather [hbm4b:s5+s3], $0x80, v3, vm0, $0xb8;
	[tilespmem:$0x18200] =	vst v63  }
0x4e: {  	s17 =	simm.s32 $0x8A00  }
0x4f: {  	[tilespmem:s17], [sflag:$0x1] =	stream.indirect_vreg.gather [hbm4b:s7+s3], $0x80, v3, vm0, $0xb8;
	[tilespmem:$0x18200] =	vst v63  }
0x50: {  	v3 =	vld [tilespmem:$0x30];
	_ =	sdelay $0x4  }
0x51: {  	v59 =	vshrl.u32 v3, $0x3  }
0x52: {  	v4 =	vmul.u32 $0x30, v59  }
0x53: {  	v3 =	vand.u32 $0x7, v3  }
0x54: {  	v3 =	vor.u32 v3, v4  }
0x55: {  	v4 =	vperm.xlane v3, v0;
	_ =	sdelay $0x1  }
0x56: {  	v4 =	vadd.s32 v1, v4;
	_ =	sdelay $0x3  }
0x57: {  	s18 =	simm.s32 $0x9200;
	v3 =	vperm.xlane v3, v2  }
0x58: {  	[tilespmem:s18], [sflag:$0x1] =	stream.indirect_vreg.gather [hbm4b:s1+s3], $0x80, v4, vm0, $0xb8;
	[tilespmem:$0x18200] =	vst v63  }
0x59: {  	s19 =	simm.s32 $0x9A00;
	v3 =	vadd.s32 v1, v3  }
0x5a: {  	[tilespmem:s19], [sflag:$0x1] =	stream.indirect_vreg.gather [hbm4b:s5+s3], $0x80, v4, vm0, $0xb8;
	[tilespmem:$0x18200] =	vst v63  }
0x5b: {  	s20 =	simm.s32 $0xA200  }
0x5c: {  	[tilespmem:s20], [sflag:$0x1] =	stream.indirect_vreg.gather [hbm4b:s7+s3], $0x80, v4, vm0, $0xb8;
	[tilespmem:$0x18200] =	vst v63  }
0x5d: {  	s16 =	simm.s32 $0xAA00  }
0x5e: {  	[tilespmem:s16], [sflag:$0x1] =	stream.indirect_vreg.gather [hbm4b:s1+s3], $0x80, v3, vm0, $0xb8;
	[tilespmem:$0x18200] =	vst v63  }
0x5f: {  	s17 =	simm.s32 $0xB200  }
0x60: {  	[tilespmem:s17], [sflag:$0x1] =	stream.indirect_vreg.gather [hbm4b:s5+s3], $0x80, v3, vm0, $0xb8;
	[tilespmem:$0x18200] =	vst v63  }
0x61: {  	s18 =	simm.s32 $0xBA00  }
0x62: {  	[tilespmem:s18], [sflag:$0x1] =	stream.indirect_vreg.gather [hbm4b:s7+s3], $0x80, v3, vm0, $0xb8;
	[tilespmem:$0x18200] =	vst v63  }
0x63: {  	v3 =	vld [tilespmem:$0x40];
	_ =	sdelay $0x4  }
0x64: {  	v60 =	vshrl.u32 v3, $0x3  }
0x65: {  	v4 =	vmul.u32 $0x30, v60  }
0x66: {  	v3 =	vand.u32 $0x7, v3  }
0x67: {  	v3 =	vor.u32 v3, v4  }
0x68: {  	v4 =	vperm.xlane v3, v0;
	_ =	sdelay $0x1  }
0x69: {  	v4 =	vadd.s32 v1, v4;
	_ =	sdelay $0x3  }
0x6a: {  	s19 =	simm.s32 $0xC200;
	v3 =	vperm.xlane v3, v2  }
0x6b: {  	[tilespmem:s19], [sflag:$0x2] =	stream.indirect_vreg.gather [hbm4b:s1+s3], $0x80, v4, vm0, $0xb8;
	[tilespmem:$0x18200] =	vst v63  }
0x6c: {  	s20 =	simm.s32 $0xCA00;
	v3 =	vadd.s32 v1, v3  }
0x6d: {  	[tilespmem:s20], [sflag:$0x2] =	stream.indirect_vreg.gather [hbm4b:s5+s3], $0x80, v4, vm0, $0xb8;
	[tilespmem:$0x18200] =	vst v63  }
0x6e: {  	s16 =	simm.s32 $0xD200  }
0x6f: {  	[tilespmem:s16], [sflag:$0x2] =	stream.indirect_vreg.gather [hbm4b:s7+s3], $0x80, v4, vm0, $0xb8;
	[tilespmem:$0x18200] =	vst v63  }
0x70: {  	s17 =	simm.s32 $0xDA00  }
0x71: {  	[tilespmem:s17], [sflag:$0x2] =	stream.indirect_vreg.gather [hbm4b:s1+s3], $0x80, v3, vm0, $0xb8;
	[tilespmem:$0x18200] =	vst v63  }
0x72: {  	s18 =	simm.s32 $0xE200  }
0x73: {  	[tilespmem:s18], [sflag:$0x2] =	stream.indirect_vreg.gather [hbm4b:s5+s3], $0x80, v3, vm0, $0xb8;
	[tilespmem:$0x18200] =	vst v63  }
0x74: {  	s19 =	simm.s32 $0xEA00  }
0x75: {  	[tilespmem:s19], [sflag:$0x2] =	stream.indirect_vreg.gather [hbm4b:s7+s3], $0x80, v3, vm0, $0xb8;
	[tilespmem:$0x18200] =	vst v63  }
0x76: {  	v3 =	vld [tilespmem:$0x50];
	_ =	sdelay $0x4  }
0x77: {  	v61 =	vshrl.u32 v3, $0x3  }
0x78: {  	v4 =	vmul.u32 $0x30, v61  }
0x79: {  	v3 =	vand.u32 $0x7, v3  }
0x7a: {  	v3 =	vor.u32 v3, v4  }
0x7b: {  	v4 =	vperm.xlane v3, v0;
	_ =	sdelay $0x1  }
0x7c: {  	v4 =	vadd.s32 v1, v4;
	_ =	sdelay $0x3  }
0x7d: {  	s20 =	simm.s32 $0xF200;
	v3 =	vperm.xlane v3, v2  }
0x7e: {  	[tilespmem:s20], [sflag:$0x2] =	stream.indirect_vreg.gather [hbm4b:s1+s3], $0x80, v4, vm0, $0xb8;
	[tilespmem:$0x18200] =	vst v63  }
0x7f: {  	s16 =	simm.s32 $0xFA00;
	v3 =	vadd.s32 v1, v3  }
0x80: {  	[tilespmem:s16], [sflag:$0x2] =	stream.indirect_vreg.gather [hbm4b:s5+s3], $0x80, v4, vm0, $0xb8;
	[tilespmem:$0x18200] =	vst v63  }
0x81: {  	s17 =	simm.s32 $0x10200  }
0x82: {  	[tilespmem:s17], [sflag:$0x2] =	stream.indirect_vreg.gather [hbm4b:s7+s3], $0x80, v4, vm0, $0xb8;
	[tilespmem:$0x18200] =	vst v63  }
0x83: {  	s18 =	simm.s32 $0x10A00  }
0x84: {  	[tilespmem:s18], [sflag:$0x2] =	stream.indirect_vreg.gather [hbm4b:s1+s3], $0x80, v3, vm0, $0xb8;
	[tilespmem:$0x18200] =	vst v63  }
0x85: {  	s19 =	simm.s32 $0x11200  }
0x86: {  	[tilespmem:s19], [sflag:$0x2] =	stream.indirect_vreg.gather [hbm4b:s5+s3], $0x80, v3, vm0, $0xb8;
	[tilespmem:$0x18200] =	vst v63  }
0x87: {  	s20 =	simm.s32 $0x11A00  }
0x88: {  	[tilespmem:s20], [sflag:$0x2] =	stream.indirect_vreg.gather [hbm4b:s7+s3], $0x80, v3, vm0, $0xb8;
	[tilespmem:$0x18200] =	vst v63  }
0x89: {  	v3 =	vld [tilespmem:$0x60];
	_ =	sdelay $0x4  }
0x8a: {  	v62 =	vshrl.u32 v3, $0x3  }
0x8b: {  	v4 =	vmul.u32 $0x30, v62  }
0x8c: {  	v3 =	vand.u32 $0x7, v3  }
0x8d: {  	v3 =	vor.u32 v3, v4  }
0x8e: {  	v4 =	vperm.xlane v3, v0;
	_ =	sdelay $0x1  }
0x8f: {  	v4 =	vadd.s32 v1, v4;
	_ =	sdelay $0x3  }
0x90: {  	s16 =	simm.s32 $0x12200;
	v3 =	vperm.xlane v3, v2  }
0x91: {  	[tilespmem:s16], [sflag:$0x2] =	stream.indirect_vreg.gather [hbm4b:s1+s3], $0x80, v4, vm0, $0xb8;
	[tilespmem:$0x18200] =	vst v63  }
0x92: {  	s17 =	simm.s32 $0x12A00;
	v3 =	vadd.s32 v1, v3  }
0x93: {  	[tilespmem:s17], [sflag:$0x2] =	stream.indirect_vreg.gather [hbm4b:s5+s3], $0x80, v4, vm0, $0xb8;
	[tilespmem:$0x18200] =	vst v63  }
0x94: {  	s18 =	simm.s32 $0x13200  }
0x95: {  	[tilespmem:s18], [sflag:$0x2] =	stream.indirect_vreg.gather [hbm4b:s7+s3], $0x80, v4, vm0, $0xb8;
	[tilespmem:$0x18200] =	vst v63  }
0x96: {  	s19 =	simm.s32 $0x13A00  }
0x97: {  	[tilespmem:s19], [sflag:$0x2] =	stream.indirect_vreg.gather [hbm4b:s1+s3], $0x80, v3, vm0, $0xb8;
	[tilespmem:$0x18200] =	vst v63  }
0x98: {  	s20 =	simm.s32 $0x14200  }
0x99: {  	[tilespmem:s20], [sflag:$0x2] =	stream.indirect_vreg.gather [hbm4b:s5+s3], $0x80, v3, vm0, $0xb8;
	[tilespmem:$0x18200] =	vst v63  }
0x9a: {  	s16 =	simm.s32 $0x14A00  }
0x9b: {  	[tilespmem:s16], [sflag:$0x2] =	stream.indirect_vreg.gather [hbm4b:s7+s3], $0x80, v3, vm0, $0xb8;
	[tilespmem:$0x18200] =	vst v63  }
0x9c: {  	v3 =	vld [tilespmem:$0x70];
	_ =	sdelay $0x4  }
0x9d: {  	v63 =	vshrl.u32 v3, $0x3  }
0x9e: {  	v4 =	vmul.u32 $0x30, v63  }
0x9f: {  	v3 =	vand.u32 $0x7, v3  }
0xa0: {  	v3 =	vor.u32 v3, v4  }
0xa1: {  	v4 =	vperm.xlane v3, v0;
	_ =	sdelay $0x1  }
0xa2: {  	v4 =	vadd.s32 v1, v4;
	_ =	sdelay $0x3  }
0xa3: {  	v3 =	vperm.xlane v3, v2  }
0xa4: {  	[tilespmem:s21], [sflag:$0x2] =	stream.indirect_vreg.gather [hbm4b:s1+s3], $0x80, v4, vm0, $0xb8;
	[tilespmem:$0x18200] =	vst v63  }
0xa5: {  	v3 =	vadd.s32 v1, v3  }
0xa6: {  	[tilespmem:s22], [sflag:$0x2] =	stream.indirect_vreg.gather [hbm4b:s5+s3], $0x80, v4, vm0, $0xb8;
	[tilespmem:$0x18200] =	vst v63  }
0xa7: {  	_ = 	snop  }
0xa8: {  	[tilespmem:s23], [sflag:$0x2] =	stream.indirect_vreg.gather [hbm4b:s7+s3], $0x80, v4, vm0, $0xb8;
	[tilespmem:$0x18200] =	vst v63  }
0xa9: {  	_ = 	snop  }
0xaa: {  	[tilespmem:s24], [sflag:$0x2] =	stream.indirect_vreg.gather [hbm4b:s1+s3], $0x80, v3, vm0, $0xb8;
	[tilespmem:$0x18200] =	vst v63  }
0xab: {  	_ = 	snop  }
0xac: {  	[tilespmem:s25], [sflag:$0x2] =	stream.indirect_vreg.gather [hbm4b:s5+s3], $0x80, v3, vm0, $0xb8;
	[tilespmem:$0x18200] =	vst v63  }
0xad: {  	_ = 	snop  }
0xae: {  	[tilespmem:s26], [sflag:$0x2] =	stream.indirect_vreg.gather [hbm4b:s7+s3], $0x80, v3, vm0, $0xb8;
	[tilespmem:$0x18200] =	vst v63  }
0xaf: {  	_ =	swait.ge [sflag:s28], $0xC000  }
0xb0: {  	[sflag:s28] =	ssyncset.done $0x0  }
0xb1: {  	s17 =	simm.s32 $0x200;
	[sflag:s28] =	ssyncadd.s32 $0xFFFF4000  }
0xb2: {  	[hbm4b:s6+s29] =	stream.strided.scatter [tilespmem:s17], [sflag:$0x3], $0x400, s30, s29, $0x38;
	[tilespmem:$0x18200] =	vst v63  }
0xb3: {  	s18 =	simm.s32 $0x600;
	s16 =	sadd.s32 $0x10, s6  }
0xb4: {  	[hbm4b:s16+s29] =	stream.strided.scatter [tilespmem:s18], [sflag:$0x3], $0x400, s30, s29, $0x38;
	[tilespmem:$0x18200] =	vst v63  }
0xb5: {  	s19 =	simm.s32 $0xA00;
	s20 =	sadd.s32 $0x20, s6  }
0xb6: {  	[hbm4b:s20+s29] =	stream.strided.scatter [tilespmem:s19], [sflag:$0x3], $0x400, s30, s29, $0x38;
	[tilespmem:$0x18200] =	vst v63  }
0xb7: {  	s15 =	simm.s32 $0x1800;
	s17 =	simm.s32 $0xE00;
	s18 =	sadd.s32 $0x30, s6  }
0xb8: {  	[hbm4b:s18+s29] =	stream.strided.scatter [tilespmem:s17], [sflag:$0x3], $0x400, s30, s29, $0x38;
	[tilespmem:$0x18200] =	vst v63  }
0xb9: {  	s16 =	sadd.s32 $0x300, s6;
	s19 =	simm.s32 $0x1200;
	s20 =	sadd.s32 $0x40, s6  }
0xba: {  	[hbm4b:s20+s29] =	stream.strided.scatter [tilespmem:s19], [sflag:$0x3], $0x400, s30, s29, $0x38;
	[tilespmem:$0x18200] =	vst v63  }
0xbb: {  	s17 =	simm.s32 $0xC000;
	s18 =	simm.s32 $0x1600;
	s19 =	sadd.s32 $0x50, s6  }
.LBB2_2:
0xbc: {  	[hbm4b:s19+s29] =	stream.strided.scatter [tilespmem:s18], [sflag:$0x3], $0x400, s30, s29, $0x38;
	[tilespmem:$0x18200] =	vst v63  }
0xbd: {  	s18 =	smov.u32 s15;
	s15 =	smov.u32 s17  }
0xbe: {  	s20 =	sadd.s32 $0x6000, s17;
	s15 =	sshra.s32 s15, $0x2;
	s19 =	sadd.s32 $0x200, s18  }
0xbf: {  	[hbm4b:s16+s29] =	stream.strided.scatter [tilespmem:s19], [sflag:$0x3], $0x400, s30, s29, $0x38;
	[tilespmem:$0x18200] =	vst v63  }
0xc0: {  	p0 =	sne.s32 s17, $0x2A000;
	s17 =	sadd.s32 $0x600, s18;
	s19 =	sadd.s32 $0x10, s16  }
0xc1: {  	[hbm4b:s19+s29] =	stream.strided.scatter [tilespmem:s17], [sflag:$0x3], $0x400, s30, s29, $0x38;
	[tilespmem:$0x18200] =	vst v63  }
0xc2: {  	s17 =	sadd.s32 $0xA00, s18;
	s19 =	sadd.s32 $0x20, s16  }
0xc3: {  	[hbm4b:s19+s29] =	stream.strided.scatter [tilespmem:s17], [sflag:$0x3], $0x400, s30, s29, $0x38;
	[tilespmem:$0x18200] =	vst v63  }
.Ltmp0:
0xc4: {  	s17 =	sadd.s32 $0xE00, s18;
	s19 =	sadd.s32 $0x30, s16;
	(pc) =	sbr.rel @p0 .LBB2_2-.Ltmp0, $4  }
0xc5: {  	[hbm4b:s19+s29] =	stream.strided.scatter [tilespmem:s17], [sflag:$0x3], $0x400, s30, s29, $0x38;
	[tilespmem:$0x18200] =	vst v63  }
0xc6: {  	s17 =	sadd.s32 $0x1200, s18;
	s19 =	sadd.s32 $0x40, s16;
	s18 =	sadd.s32 $0x1600, s18  }
0xc7: {  	[hbm4b:s19+s29] =	stream.strided.scatter [tilespmem:s17], [sflag:$0x3], $0x400, s30, s29, $0x38;
	[tilespmem:$0x18200] =	vst v63  }
0xc8: {  	s19 =	sadd.s32 $0x50, s16;
	s16 =	sadd.s32 $0x300, s16;
	s17 =	smov.u32 s20  }
0xc9: {  	[hbm4b:s19+s29] =	stream.strided.scatter [tilespmem:s18], [sflag:$0x3], $0x400, s30, s29, $0x38;
	[tilespmem:$0x18200] =	vst v63  }
0xca: {  	s17 =	sadd.s32 $0x200, s15  }
0xcb: {  	[hbm4b:s16+s29] =	stream.strided.scatter [tilespmem:s17], [sflag:$0x3], $0x400, s30, s29, $0x38;
	[tilespmem:$0x18200] =	vst v63  }
0xcc: {  	s19 =	sadd.s32 $0x600, s15;
	s20 =	sadd.s32 $0x10, s16  }
0xcd: {  	[hbm4b:s20+s29] =	stream.strided.scatter [tilespmem:s19], [sflag:$0x3], $0x400, s30, s29, $0x38;
	[tilespmem:$0x18200] =	vst v63  }
0xce: {  	s19 =	sadd.s32 $0xA00, s15;
	s20 =	sadd.s32 $0x20, s16  }
0xcf: {  	[hbm4b:s20+s29] =	stream.strided.scatter [tilespmem:s19], [sflag:$0x3], $0x400, s30, s29, $0x38;
	[tilespmem:$0x18200] =	vst v63  }
0xd0: {  	s19 =	sadd.s32 $0xE00, s15;
	s20 =	sadd.s32 $0x30, s16  }
0xd1: {  	[hbm4b:s20+s29] =	stream.strided.scatter [tilespmem:s19], [sflag:$0x3], $0x400, s30, s29, $0x38;
	[tilespmem:$0x18200] =	vst v63  }
0xd2: {  	s19 =	sadd.s32 $0x1200, s15;
	s20 =	sadd.s32 $0x40, s16  }
0xd3: {  	[hbm4b:s20+s29] =	stream.strided.scatter [tilespmem:s19], [sflag:$0x3], $0x400, s30, s29, $0x38;
	[tilespmem:$0x18200] =	vst v63  }
0xd4: {  	s19 =	sadd.s32 $0x1600, s15;
	s20 =	sadd.s32 $0x50, s16  }
0xd5: {  	[hbm4b:s20+s29] =	stream.strided.scatter [tilespmem:s19], [sflag:$0x3], $0x400, s30, s29, $0x38;
	[tilespmem:$0x18200] =	vst v63  }
0xd6: {  	_ =	swait.ge [sflag:s31], $0xC000  }
0xd7: {  	[sflag:s31] =	ssyncset.done $0x0  }
0xd8: {  	[sflag:s31] =	ssyncadd.s32 $0xFFFF4000  }
0xd9: {  	v3 =	vld [tilespmem:$0x80];
	_ =	sdelay $0x4  }
0xda: {  	v4 =	vshrl.u32 v3, $0x3  }
0xdb: {  	v4 =	vmul.u32 $0x30, v4  }
0xdc: {  	v3 =	vand.u32 $0x7, v3  }
0xdd: {  	v3 =	vor.u32 v3, v4  }
0xde: {  	v4 =	vperm.xlane v3, v0;
	_ =	sdelay $0x1  }
0xdf: {  	v4 =	vadd.s32 v1, v4;
	_ =	sdelay $0x3  }
0xe0: {  	s17 =	simm.s32 $0x200;
	s15 =	simm.s32 $0x0;
	v3 =	vperm.xlane v3, v2  }
0xe1: {  	[tilespmem:s17], [sflag:$0x1] =	stream.indirect_vreg.gather [hbm4b:s1+s15], $0x80, v4, vm0, $0xb8;
	[tilespmem:$0x18200] =	vst v63  }
0xe2: {  	s18 =	simm.s32 $0xA00;
	v3 =	vadd.s32 v1, v3  }
0xe3: {  	[tilespmem:s18], [sflag:$0x1] =	stream.indirect_vreg.gather [hbm4b:s5+s15], $0x80, v4, vm0, $0xb8;
	[tilespmem:$0x18200] =	vst v63  }
0xe4: {  	s19 =	simm.s32 $0x1200  }
0xe5: {  	[tilespmem:s19], [sflag:$0x1] =	stream.indirect_vreg.gather [hbm4b:s7+s15], $0x80, v4, vm0, $0xb8;
	[tilespmem:$0x18200] =	vst v63  }
0xe6: {  	s20 =	simm.s32 $0x1A00  }
0xe7: {  	[tilespmem:s20], [sflag:$0x1] =	stream.indirect_vreg.gather [hbm4b:s1+s15], $0x80, v3, vm0, $0xb8;
	[tilespmem:$0x18200] =	vst v63  }
0xe8: {  	s17 =	simm.s32 $0x2200  }
0xe9: {  	[tilespmem:s17], [sflag:$0x1] =	stream.indirect_vreg.gather [hbm4b:s5+s15], $0x80, v3, vm0, $0xb8;
	[tilespmem:$0x18200] =	vst v63  }
0xea: {  	s18 =	simm.s32 $0x2A00  }
0xeb: {  	[tilespmem:s18], [sflag:$0x1] =	stream.indirect_vreg.gather [hbm4b:s7+s15], $0x80, v3, vm0, $0xb8;
	[tilespmem:$0x18200] =	vst v63  }
0xec: {  	v3 =	vld [tilespmem:$0x90];
	_ =	sdelay $0x4  }
0xed: {  	v61 =	vshrl.u32 v3, $0x3  }
0xee: {  	v4 =	vmul.u32 $0x30, v61  }
0xef: {  	v3 =	vand.u32 $0x7, v3  }
0xf0: {  	v3 =	vor.u32 v3, v4  }
0xf1: {  	v4 =	vperm.xlane v3, v0;
	_ =	sdelay $0x1  }
0xf2: {  	v4 =	vadd.s32 v1, v4;
	_ =	sdelay $0x3  }
0xf3: {  	s19 =	simm.s32 $0x3200;
	v3 =	vperm.xlane v3, v2  }
0xf4: {  	[tilespmem:s19], [sflag:$0x1] =	stream.indirect_vreg.gather [hbm4b:s1+s15], $0x80, v4, vm0, $0xb8;
	[tilespmem:$0x18200] =	vst v63  }
0xf5: {  	s20 =	simm.s32 $0x3A00;
	v3 =	vadd.s32 v1, v3  }
0xf6: {  	[tilespmem:s20], [sflag:$0x1] =	stream.indirect_vreg.gather [hbm4b:s5+s15], $0x80, v4, vm0, $0xb8;
	[tilespmem:$0x18200] =	vst v63  }
0xf7: {  	s17 =	simm.s32 $0x4200  }
0xf8: {  	[tilespmem:s17], [sflag:$0x1] =	stream.indirect_vreg.gather [hbm4b:s7+s15], $0x80, v4, vm0, $0xb8;
	[tilespmem:$0x18200] =	vst v63  }
0xf9: {  	s18 =	simm.s32 $0x4A00  }
0xfa: {  	[tilespmem:s18], [sflag:$0x1] =	stream.indirect_vreg.gather [hbm4b:s1+s15], $0x80, v3, vm0, $0xb8;
	[tilespmem:$0x18200] =	vst v63  }
0xfb: {  	s19 =	simm.s32 $0x5200  }
0xfc: {  	[tilespmem:s19], [sflag:$0x1] =	stream.indirect_vreg.gather [hbm4b:s5+s15], $0x80, v3, vm0, $0xb8;
	[tilespmem:$0x18200] =	vst v63  }
0xfd: {  	s20 =	simm.s32 $0x5A00  }
0xfe: {  	[tilespmem:s20], [sflag:$0x1] =	stream.indirect_vreg.gather [hbm4b:s7+s15], $0x80, v3, vm0, $0xb8;
	[tilespmem:$0x18200] =	vst v63  }
0xff: {  	v3 =	vld [tilespmem:$0xA0];
	_ =	sdelay $0x4  }
0x100: {  	v62 =	vshrl.u32 v3, $0x3  }
0x101: {  	v4 =	vmul.u32 $0x30, v62  }
0x102: {  	v3 =	vand.u32 $0x7, v3  }
0x103: {  	v3 =	vor.u32 v3, v4  }
0x104: {  	v4 =	vperm.xlane v3, v0;
	_ =	sdelay $0x1  }
0x105: {  	v4 =	vadd.s32 v1, v4;
	_ =	sdelay $0x3  }
0x106: {  	s17 =	simm.s32 $0x6200;
	v3 =	vperm.xlane v3, v2  }
0x107: {  	[tilespmem:s17], [sflag:$0x1] =	stream.indirect_vreg.gather [hbm4b:s1+s15], $0x80, v4, vm0, $0xb8;
	[tilespmem:$0x18200] =	vst v63  }
0x108: {  	s18 =	simm.s32 $0x6A00;
	v3 =	vadd.s32 v1, v3  }
0x109: {  	[tilespmem:s18], [sflag:$0x1] =	stream.indirect_vreg.gather [hbm4b:s5+s15], $0x80, v4, vm0, $0xb8;
	[tilespmem:$0x18200] =	vst v63  }
0x10a: {  	s19 =	simm.s32 $0x7200  }
0x10b: {  	[tilespmem:s19], [sflag:$0x1] =	stream.indirect_vreg.gather [hbm4b:s7+s15], $0x80, v4, vm0, $0xb8;
	[tilespmem:$0x18200] =	vst v63  }
0x10c: {  	s20 =	simm.s32 $0x7A00  }
0x10d: {  	[tilespmem:s20], [sflag:$0x1] =	stream.indirect_vreg.gather [hbm4b:s1+s15], $0x80, v3, vm0, $0xb8;
	[tilespmem:$0x18200] =	vst v63  }
0x10e: {  	s17 =	simm.s32 $0x8200  }
0x10f: {  	[tilespmem:s17], [sflag:$0x1] =	stream.indirect_vreg.gather [hbm4b:s5+s15], $0x80, v3, vm0, $0xb8;
	[tilespmem:$0x18200] =	vst v63  }
0x110: {  	s18 =	simm.s32 $0x8A00  }
0x111: {  	[tilespmem:s18], [sflag:$0x1] =	stream.indirect_vreg.gather [hbm4b:s7+s15], $0x80, v3, vm0, $0xb8;
	[tilespmem:$0x18200] =	vst v63  }
0x112: {  	v3 =	vld [tilespmem:$0xB0];
	_ =	sdelay $0x4  }
0x113: {  	v63 =	vshrl.u32 v3, $0x3  }
0x114: {  	v4 =	vmul.u32 $0x30, v63  }
0x115: {  	v3 =	vand.u32 $0x7, v3  }
0x116: {  	v3 =	vor.u32 v3, v4  }
0x117: {  	v4 =	vperm.xlane v3, v0;
	_ =	sdelay $0x1  }
0x118: {  	v4 =	vadd.s32 v1, v4;
	_ =	sdelay $0x3  }
0x119: {  	s19 =	simm.s32 $0x9200;
	v3 =	vperm.xlane v3, v2  }
0x11a: {  	[tilespmem:s19], [sflag:$0x1] =	stream.indirect_vreg.gather [hbm4b:s1+s15], $0x80, v4, vm0, $0xb8;
	[tilespmem:$0x18200] =	vst v63  }
0x11b: {  	s20 =	simm.s32 $0x9A00;
	v3 =	vadd.s32 v1, v3  }
0x11c: {  	[tilespmem:s20], [sflag:$0x1] =	stream.indirect_vreg.gather [hbm4b:s5+s15], $0x80, v4, vm0, $0xb8;
	[tilespmem:$0x18200] =	vst v63  }
0x11d: {  	s17 =	simm.s32 $0xA200  }
0x11e: {  	[tilespmem:s17], [sflag:$0x1] =	stream.indirect_vreg.gather [hbm4b:s7+s15], $0x80, v4, vm0, $0xb8;
	[tilespmem:$0x18200] =	vst v63  }
0x11f: {  	s18 =	simm.s32 $0xAA00  }
0x120: {  	[tilespmem:s18], [sflag:$0x1] =	stream.indirect_vreg.gather [hbm4b:s1+s15], $0x80, v3, vm0, $0xb8;
	[tilespmem:$0x18200] =	vst v63  }
0x121: {  	s19 =	simm.s32 $0xB200  }
0x122: {  	[tilespmem:s19], [sflag:$0x1] =	stream.indirect_vreg.gather [hbm4b:s5+s15], $0x80, v3, vm0, $0xb8;
	[tilespmem:$0x18200] =	vst v63  }
0x123: {  	s20 =	simm.s32 $0xBA00  }
0x124: {  	[tilespmem:s20], [sflag:$0x1] =	stream.indirect_vreg.gather [hbm4b:s7+s15], $0x80, v3, vm0, $0xb8;
	[tilespmem:$0x18200] =	vst v63  }
0x125: {  	_ =	swait.ge [sflag:s2], $0xC000  }
0x126: {  	[sflag:s2] =	ssyncset.done $0x0  }
0x127: {  	s16 =	simm.s32 $0xC200;
	[sflag:s2] =	ssyncadd.s32 $0xFFFF4000  }
0x128: {  	[hbm4b:s8+s29] =	stream.strided.scatter [tilespmem:s16], [sflag:$0x4], $0x400, s30, s29, $0x38;
	[tilespmem:$0x18200] =	vst v63  }
0x129: {  	s17 =	simm.s32 $0xC600;
	s18 =	sadd.s32 $0x10, s8  }
0x12a: {  	[hbm4b:s18+s29] =	stream.strided.scatter [tilespmem:s17], [sflag:$0x4], $0x400, s30, s29, $0x38;
	[tilespmem:$0x18200] =	vst v63  }
0x12b: {  	s19 =	simm.s32 $0xCA00;
	s20 =	sadd.s32 $0x20, s8  }
0x12c: {  	[hbm4b:s20+s29] =	stream.strided.scatter [tilespmem:s19], [sflag:$0x4], $0x400, s30, s29, $0x38;
	[tilespmem:$0x18200] =	vst v63  }
0x12d: {  	s15 =	simm.s32 $0x1800;
	s17 =	simm.s32 $0xCE00;
	s18 =	sadd.s32 $0x30, s8  }
0x12e: {  	[hbm4b:s18+s29] =	stream.strided.scatter [tilespmem:s17], [sflag:$0x4], $0x400, s30, s29, $0x38;
	[tilespmem:$0x18200] =	vst v63  }
0x12f: {  	s16 =	sadd.s32 $0x300, s8;
	s19 =	simm.s32 $0xD200;
	s20 =	sadd.s32 $0x40, s8  }
0x130: {  	[hbm4b:s20+s29] =	stream.strided.scatter [tilespmem:s19], [sflag:$0x4], $0x400, s30, s29, $0x38;
	[tilespmem:$0x18200] =	vst v63  }
0x131: {  	s17 =	simm.s32 $0xC000;
	s18 =	simm.s32 $0xD600;
	s19 =	sadd.s32 $0x50, s8  }
.LBB2_4:
0x132: {  	[hbm4b:s19+s29] =	stream.strided.scatter [tilespmem:s18], [sflag:$0x4], $0x400, s30, s29, $0x38;
	[tilespmem:$0x18200] =	vst v63  }
0x133: {  	s18 =	smov.u32 s15;
	s15 =	smov.u32 s17  }
0x134: {  	s20 =	sadd.s32 $0x6000, s17;
	s15 =	sshra.s32 s15, $0x2;
	s19 =	sadd.s32 $0xC200, s18  }
0x135: {  	[hbm4b:s16+s29] =	stream.strided.scatter [tilespmem:s19], [sflag:$0x4], $0x400, s30, s29, $0x38;
	[tilespmem:$0x18200] =	vst v63  }
0x136: {  	p0 =	sne.s32 s17, $0x2A000;
	s17 =	sadd.s32 $0xC600, s18;
	s19 =	sadd.s32 $0x10, s16  }
0x137: {  	[hbm4b:s19+s29] =	stream.strided.scatter [tilespmem:s17], [sflag:$0x4], $0x400, s30, s29, $0x38;
	[tilespmem:$0x18200] =	vst v63  }
0x138: {  	s17 =	sadd.s32 $0xCA00, s18;
	s19 =	sadd.s32 $0x20, s16  }
0x139: {  	[hbm4b:s19+s29] =	stream.strided.scatter [tilespmem:s17], [sflag:$0x4], $0x400, s30, s29, $0x38;
	[tilespmem:$0x18200] =	vst v63  }
.Ltmp1:
0x13a: {  	s17 =	sadd.s32 $0xCE00, s18;
	s19 =	sadd.s32 $0x30, s16;
	(pc) =	sbr.rel @p0 .LBB2_4-.Ltmp1, $4  }
0x13b: {  	[hbm4b:s19+s29] =	stream.strided.scatter [tilespmem:s17], [sflag:$0x4], $0x400, s30, s29, $0x38;
	[tilespmem:$0x18200] =	vst v63  }
0x13c: {  	s17 =	sadd.s32 $0xD200, s18;
	s19 =	sadd.s32 $0x40, s16;
	s18 =	sadd.s32 $0xD600, s18  }
0x13d: {  	[hbm4b:s19+s29] =	stream.strided.scatter [tilespmem:s17], [sflag:$0x4], $0x400, s30, s29, $0x38;
	[tilespmem:$0x18200] =	vst v63  }
0x13e: {  	s19 =	sadd.s32 $0x50, s16;
	s16 =	sadd.s32 $0x300, s16;
	s17 =	smov.u32 s20  }
0x13f: {  	[hbm4b:s19+s29] =	stream.strided.scatter [tilespmem:s18], [sflag:$0x4], $0x400, s30, s29, $0x38;
	[tilespmem:$0x18200] =	vst v63  }
0x140: {  	s17 =	sadd.s32 $0xC200, s15  }
0x141: {  	[hbm4b:s16+s29] =	stream.strided.scatter [tilespmem:s17], [sflag:$0x4], $0x400, s30, s29, $0x38;
	[tilespmem:$0x18200] =	vst v63  }
0x142: {  	s19 =	sadd.s32 $0xC600, s15;
	s20 =	sadd.s32 $0x10, s16  }
0x143: {  	[hbm4b:s20+s29] =	stream.strided.scatter [tilespmem:s19], [sflag:$0x4], $0x400, s30, s29, $0x38;
	[tilespmem:$0x18200] =	vst v63  }
0x144: {  	s19 =	sadd.s32 $0xCA00, s15;
	s20 =	sadd.s32 $0x20, s16  }
0x145: {  	[hbm4b:s20+s29] =	stream.strided.scatter [tilespmem:s19], [sflag:$0x4], $0x400, s30, s29, $0x38;
	[tilespmem:$0x18200] =	vst v63  }
0x146: {  	s19 =	sadd.s32 $0xCE00, s15;
	s20 =	sadd.s32 $0x30, s16  }
0x147: {  	[hbm4b:s20+s29] =	stream.strided.scatter [tilespmem:s19], [sflag:$0x4], $0x400, s30, s29, $0x38;
	[tilespmem:$0x18200] =	vst v63  }
0x148: {  	s19 =	sadd.s32 $0xD200, s15;
	s20 =	sadd.s32 $0x40, s16  }
0x149: {  	[hbm4b:s20+s29] =	stream.strided.scatter [tilespmem:s19], [sflag:$0x4], $0x400, s30, s29, $0x38;
	[tilespmem:$0x18200] =	vst v63  }
0x14a: {  	s18 =	sadd.s32 $0x50, s16;
	s17 =	sadd.s32 $0xD600, s15  }
0x14b: {  	[hbm4b:s18+s29] =	stream.strided.scatter [tilespmem:s17], [sflag:$0x4], $0x400, s30, s29, $0x38;
	[tilespmem:$0x18200] =	vst v63  }
0x14c: {  	_ =	swait.ge [sflag:s0], $0xC000  }
0x14d: {  	[sflag:s0] =	ssyncset.done $0x0  }
0x14e: {  	[sflag:s0] =	ssyncadd.s32 $0xFFFF4000  }
0x14f: {  	v3 =	vld [tilespmem:$0xC0];
	_ =	sdelay $0x4  }
0x150: {  	v4 =	vshrl.u32 v3, $0x3  }
0x151: {  	v4 =	vmul.u32 $0x30, v4  }
0x152: {  	v3 =	vand.u32 $0x7, v3  }
0x153: {  	v3 =	vor.u32 v3, v4  }
0x154: {  	v4 =	vperm.xlane v3, v0;
	_ =	sdelay $0x1  }
0x155: {  	v4 =	vadd.s32 v1, v4;
	_ =	sdelay $0x3  }
0x156: {  	s15 =	simm.s32 $0x0;
	s19 =	simm.s32 $0xC200;
	v3 =	vperm.xlane v3, v2  }
0x157: {  	[tilespmem:s19], [sflag:$0x2] =	stream.indirect_vreg.gather [hbm4b:s1+s15], $0x80, v4, vm0, $0xb8;
	[tilespmem:$0x18200] =	vst v63  }
0x158: {  	s20 =	simm.s32 $0xCA00;
	v3 =	vadd.s32 v1, v3  }
0x159: {  	[tilespmem:s20], [sflag:$0x2] =	stream.indirect_vreg.gather [hbm4b:s5+s15], $0x80, v4, vm0, $0xb8;
	[tilespmem:$0x18200] =	vst v63  }
0x15a: {  	s17 =	simm.s32 $0xD200  }
0x15b: {  	[tilespmem:s17], [sflag:$0x2] =	stream.indirect_vreg.gather [hbm4b:s7+s15], $0x80, v4, vm0, $0xb8;
	[tilespmem:$0x18200] =	vst v63  }
0x15c: {  	s18 =	simm.s32 $0xDA00  }
0x15d: {  	[tilespmem:s18], [sflag:$0x2] =	stream.indirect_vreg.gather [hbm4b:s1+s15], $0x80, v3, vm0, $0xb8;
	[tilespmem:$0x18200] =	vst v63  }
0x15e: {  	s19 =	simm.s32 $0xE200  }
0x15f: {  	[tilespmem:s19], [sflag:$0x2] =	stream.indirect_vreg.gather [hbm4b:s5+s15], $0x80, v3, vm0, $0xb8;
	[tilespmem:$0x18200] =	vst v63  }
0x160: {  	s20 =	simm.s32 $0xEA00  }
0x161: {  	[tilespmem:s20], [sflag:$0x2] =	stream.indirect_vreg.gather [hbm4b:s7+s15], $0x80, v3, vm0, $0xb8;
	[tilespmem:$0x18200] =	vst v63  }
0x162: {  	v3 =	vld [tilespmem:$0xD0];
	_ =	sdelay $0x4  }
0x163: {  	v61 =	vshrl.u32 v3, $0x3  }
0x164: {  	v4 =	vmul.u32 $0x30, v61  }
0x165: {  	v3 =	vand.u32 $0x7, v3  }
0x166: {  	v3 =	vor.u32 v3, v4  }
0x167: {  	v4 =	vperm.xlane v3, v0;
	_ =	sdelay $0x1  }
0x168: {  	v4 =	vadd.s32 v1, v4;
	_ =	sdelay $0x3  }
0x169: {  	s17 =	simm.s32 $0xF200;
	v3 =	vperm.xlane v3, v2  }
0x16a: {  	[tilespmem:s17], [sflag:$0x2] =	stream.indirect_vreg.gather [hbm4b:s1+s15], $0x80, v4, vm0, $0xb8;
	[tilespmem:$0x18200] =	vst v63  }
0x16b: {  	s18 =	simm.s32 $0xFA00;
	v3 =	vadd.s32 v1, v3  }
0x16c: {  	[tilespmem:s18], [sflag:$0x2] =	stream.indirect_vreg.gather [hbm4b:s5+s15], $0x80, v4, vm0, $0xb8;
	[tilespmem:$0x18200] =	vst v63  }
0x16d: {  	s19 =	simm.s32 $0x10200  }
0x16e: {  	[tilespmem:s19], [sflag:$0x2] =	stream.indirect_vreg.gather [hbm4b:s7+s15], $0x80, v4, vm0, $0xb8;
	[tilespmem:$0x18200] =	vst v63  }
0x16f: {  	s20 =	simm.s32 $0x10A00  }
0x170: {  	[tilespmem:s20], [sflag:$0x2] =	stream.indirect_vreg.gather [hbm4b:s1+s15], $0x80, v3, vm0, $0xb8;
	[tilespmem:$0x18200] =	vst v63  }
0x171: {  	s17 =	simm.s32 $0x11200  }
0x172: {  	[tilespmem:s17], [sflag:$0x2] =	stream.indirect_vreg.gather [hbm4b:s5+s15], $0x80, v3, vm0, $0xb8;
	[tilespmem:$0x18200] =	vst v63  }
0x173: {  	s18 =	simm.s32 $0x11A00  }
0x174: {  	[tilespmem:s18], [sflag:$0x2] =	stream.indirect_vreg.gather [hbm4b:s7+s15], $0x80, v3, vm0, $0xb8;
	[tilespmem:$0x18200] =	vst v63  }
0x175: {  	v3 =	vld [tilespmem:$0xE0];
	_ =	sdelay $0x4  }
0x176: {  	v62 =	vshrl.u32 v3, $0x3  }
0x177: {  	v4 =	vmul.u32 $0x30, v62  }
0x178: {  	v3 =	vand.u32 $0x7, v3  }
0x179: {  	v3 =	vor.u32 v3, v4  }
0x17a: {  	v4 =	vperm.xlane v3, v0;
	_ =	sdelay $0x1  }
0x17b: {  	v4 =	vadd.s32 v1, v4;
	_ =	sdelay $0x3  }
0x17c: {  	s19 =	simm.s32 $0x12200;
	v3 =	vperm.xlane v3, v2  }
0x17d: {  	[tilespmem:s19], [sflag:$0x2] =	stream.indirect_vreg.gather [hbm4b:s1+s15], $0x80, v4, vm0, $0xb8;
	[tilespmem:$0x18200] =	vst v63  }
0x17e: {  	s20 =	simm.s32 $0x12A00;
	v3 =	vadd.s32 v1, v3  }
0x17f: {  	[tilespmem:s20], [sflag:$0x2] =	stream.indirect_vreg.gather [hbm4b:s5+s15], $0x80, v4, vm0, $0xb8;
	[tilespmem:$0x18200] =	vst v63  }
0x180: {  	s17 =	simm.s32 $0x13200  }
0x181: {  	[tilespmem:s17], [sflag:$0x2] =	stream.indirect_vreg.gather [hbm4b:s7+s15], $0x80, v4, vm0, $0xb8;
	[tilespmem:$0x18200] =	vst v63  }
0x182: {  	s18 =	simm.s32 $0x13A00  }
0x183: {  	[tilespmem:s18], [sflag:$0x2] =	stream.indirect_vreg.gather [hbm4b:s1+s15], $0x80, v3, vm0, $0xb8;
	[tilespmem:$0x18200] =	vst v63  }
0x184: {  	s19 =	simm.s32 $0x14200  }
0x185: {  	[tilespmem:s19], [sflag:$0x2] =	stream.indirect_vreg.gather [hbm4b:s5+s15], $0x80, v3, vm0, $0xb8;
	[tilespmem:$0x18200] =	vst v63  }
0x186: {  	s20 =	simm.s32 $0x14A00  }
0x187: {  	[tilespmem:s20], [sflag:$0x2] =	stream.indirect_vreg.gather [hbm4b:s7+s15], $0x80, v3, vm0, $0xb8;
	[tilespmem:$0x18200] =	vst v63  }
0x188: {  	v3 =	vld [tilespmem:$0xF0];
	_ =	sdelay $0x4  }
0x189: {  	v63 =	vshrl.u32 v3, $0x3  }
0x18a: {  	v4 =	vmul.u32 $0x30, v63  }
0x18b: {  	v3 =	vand.u32 $0x7, v3  }
0x18c: {  	v3 =	vor.u32 v3, v4  }
0x18d: {  	v4 =	vperm.xlane v3, v0;
	_ =	sdelay $0x1  }
0x18e: {  	v4 =	vadd.s32 v1, v4;
	_ =	sdelay $0x3  }
0x18f: {  	v3 =	vperm.xlane v3, v2  }
0x190: {  	[tilespmem:s21], [sflag:$0x2] =	stream.indirect_vreg.gather [hbm4b:s1+s15], $0x80, v4, vm0, $0xb8;
	[tilespmem:$0x18200] =	vst v63  }
0x191: {  	v3 =	vadd.s32 v1, v3  }
0x192: {  	[tilespmem:s22], [sflag:$0x2] =	stream.indirect_vreg.gather [hbm4b:s5+s15], $0x80, v4, vm0, $0xb8;
	[tilespmem:$0x18200] =	vst v63  }
0x193: {  	_ = 	snop  }
0x194: {  	[tilespmem:s23], [sflag:$0x2] =	stream.indirect_vreg.gather [hbm4b:s7+s15], $0x80, v4, vm0, $0xb8;
	[tilespmem:$0x18200] =	vst v63  }
0x195: {  	_ = 	snop  }
0x196: {  	[tilespmem:s24], [sflag:$0x2] =	stream.indirect_vreg.gather [hbm4b:s1+s15], $0x80, v3, vm0, $0xb8;
	[tilespmem:$0x18200] =	vst v63  }
0x197: {  	_ = 	snop  }
0x198: {  	[tilespmem:s25], [sflag:$0x2] =	stream.indirect_vreg.gather [hbm4b:s5+s15], $0x80, v3, vm0, $0xb8;
	[tilespmem:$0x18200] =	vst v63  }
0x199: {  	_ = 	snop  }
0x19a: {  	[tilespmem:s26], [sflag:$0x2] =	stream.indirect_vreg.gather [hbm4b:s7+s15], $0x80, v3, vm0, $0xb8;
	[tilespmem:$0x18200] =	vst v63  }
0x19b: {  	_ =	swait.ge [sflag:s28], $0xC000  }
0x19c: {  	[sflag:s28] =	ssyncset.done $0x0  }
0x19d: {  	s16 =	simm.s32 $0x200;
	[sflag:s28] =	ssyncadd.s32 $0xFFFF4000  }
0x19e: {  	[hbm4b:s9+s29] =	stream.strided.scatter [tilespmem:s16], [sflag:$0x3], $0x400, s30, s29, $0x38;
	[tilespmem:$0x18200] =	vst v63  }
0x19f: {  	s17 =	simm.s32 $0x600;
	s18 =	sadd.s32 $0x10, s9  }
0x1a0: {  	[hbm4b:s18+s29] =	stream.strided.scatter [tilespmem:s17], [sflag:$0x3], $0x400, s30, s29, $0x38;
	[tilespmem:$0x18200] =	vst v63  }
0x1a1: {  	s19 =	simm.s32 $0xA00;
	s20 =	sadd.s32 $0x20, s9  }
0x1a2: {  	[hbm4b:s20+s29] =	stream.strided.scatter [tilespmem:s19], [sflag:$0x3], $0x400, s30, s29, $0x38;
	[tilespmem:$0x18200] =	vst v63  }
0x1a3: {  	s15 =	simm.s32 $0x1800;
	s17 =	simm.s32 $0xE00;
	s18 =	sadd.s32 $0x30, s9  }
0x1a4: {  	[hbm4b:s18+s29] =	stream.strided.scatter [tilespmem:s17], [sflag:$0x3], $0x400, s30, s29, $0x38;
	[tilespmem:$0x18200] =	vst v63  }
0x1a5: {  	s16 =	sadd.s32 $0x300, s9;
	s19 =	simm.s32 $0x1200;
	s20 =	sadd.s32 $0x40, s9  }
0x1a6: {  	[hbm4b:s20+s29] =	stream.strided.scatter [tilespmem:s19], [sflag:$0x3], $0x400, s30, s29, $0x38;
	[tilespmem:$0x18200] =	vst v63  }
0x1a7: {  	s17 =	simm.s32 $0xC000;
	s18 =	simm.s32 $0x1600;
	s19 =	sadd.s32 $0x50, s9  }
.LBB2_6:
0x1a8: {  	[hbm4b:s19+s29] =	stream.strided.scatter [tilespmem:s18], [sflag:$0x3], $0x400, s30, s29, $0x38;
	[tilespmem:$0x18200] =	vst v63  }
0x1a9: {  	s18 =	smov.u32 s15;
	s15 =	smov.u32 s17  }
0x1aa: {  	s20 =	sadd.s32 $0x6000, s17;
	s15 =	sshra.s32 s15, $0x2;
	s19 =	sadd.s32 $0x200, s18  }
0x1ab: {  	[hbm4b:s16+s29] =	stream.strided.scatter [tilespmem:s19], [sflag:$0x3], $0x400, s30, s29, $0x38;
	[tilespmem:$0x18200] =	vst v63  }
0x1ac: {  	p0 =	sne.s32 s17, $0x2A000;
	s17 =	sadd.s32 $0x600, s18;
	s19 =	sadd.s32 $0x10, s16  }
0x1ad: {  	[hbm4b:s19+s29] =	stream.strided.scatter [tilespmem:s17], [sflag:$0x3], $0x400, s30, s29, $0x38;
	[tilespmem:$0x18200] =	vst v63  }
0x1ae: {  	s17 =	sadd.s32 $0xA00, s18;
	s19 =	sadd.s32 $0x20, s16  }
0x1af: {  	[hbm4b:s19+s29] =	stream.strided.scatter [tilespmem:s17], [sflag:$0x3], $0x400, s30, s29, $0x38;
	[tilespmem:$0x18200] =	vst v63  }
.Ltmp2:
0x1b0: {  	s17 =	sadd.s32 $0xE00, s18;
	s19 =	sadd.s32 $0x30, s16;
	(pc) =	sbr.rel @p0 .LBB2_6-.Ltmp2, $4  }
0x1b1: {  	[hbm4b:s19+s29] =	stream.strided.scatter [tilespmem:s17], [sflag:$0x3], $0x400, s30, s29, $0x38;
	[tilespmem:$0x18200] =	vst v63  }
0x1b2: {  	s17 =	sadd.s32 $0x1200, s18;
	s19 =	sadd.s32 $0x40, s16;
	s18 =	sadd.s32 $0x1600, s18  }
0x1b3: {  	[hbm4b:s19+s29] =	stream.strided.scatter [tilespmem:s17], [sflag:$0x3], $0x400, s30, s29, $0x38;
	[tilespmem:$0x18200] =	vst v63  }
0x1b4: {  	s19 =	sadd.s32 $0x50, s16;
	s16 =	sadd.s32 $0x300, s16;
	s17 =	smov.u32 s20  }
0x1b5: {  	[hbm4b:s19+s29] =	stream.strided.scatter [tilespmem:s18], [sflag:$0x3], $0x400, s30, s29, $0x38;
	[tilespmem:$0x18200] =	vst v63  }
0x1b6: {  	s17 =	sadd.s32 $0x200, s15  }
0x1b7: {  	[hbm4b:s16+s29] =	stream.strided.scatter [tilespmem:s17], [sflag:$0x3], $0x400, s30, s29, $0x38;
	[tilespmem:$0x18200] =	vst v63  }
0x1b8: {  	s19 =	sadd.s32 $0x600, s15;
	s20 =	sadd.s32 $0x10, s16  }
0x1b9: {  	[hbm4b:s20+s29] =	stream.strided.scatter [tilespmem:s19], [sflag:$0x3], $0x400, s30, s29, $0x38;
	[tilespmem:$0x18200] =	vst v63  }
0x1ba: {  	s19 =	sadd.s32 $0xA00, s15;
	s20 =	sadd.s32 $0x20, s16  }
0x1bb: {  	[hbm4b:s20+s29] =	stream.strided.scatter [tilespmem:s19], [sflag:$0x3], $0x400, s30, s29, $0x38;
	[tilespmem:$0x18200] =	vst v63  }
0x1bc: {  	s19 =	sadd.s32 $0xE00, s15;
	s20 =	sadd.s32 $0x30, s16  }
0x1bd: {  	[hbm4b:s20+s29] =	stream.strided.scatter [tilespmem:s19], [sflag:$0x3], $0x400, s30, s29, $0x38;
	[tilespmem:$0x18200] =	vst v63  }
0x1be: {  	s19 =	sadd.s32 $0x1200, s15;
	s20 =	sadd.s32 $0x40, s16  }
0x1bf: {  	[hbm4b:s20+s29] =	stream.strided.scatter [tilespmem:s19], [sflag:$0x3], $0x400, s30, s29, $0x38;
	[tilespmem:$0x18200] =	vst v63  }
0x1c0: {  	s19 =	sadd.s32 $0x1600, s15;
	s20 =	sadd.s32 $0x50, s16  }
0x1c1: {  	[hbm4b:s20+s29] =	stream.strided.scatter [tilespmem:s19], [sflag:$0x3], $0x400, s30, s29, $0x38;
	[tilespmem:$0x18200] =	vst v63  }
0x1c2: {  	_ =	swait.ge [sflag:s31], $0xC000  }
0x1c3: {  	[sflag:s31] =	ssyncset.done $0x0  }
0x1c4: {  	[sflag:s31] =	ssyncadd.s32 $0xFFFF4000  }
0x1c5: {  	v3 =	vld [tilespmem:$0x100];
	_ =	sdelay $0x4  }
0x1c6: {  	v4 =	vshrl.u32 v3, $0x3  }
0x1c7: {  	v4 =	vmul.u32 $0x30, v4  }
0x1c8: {  	v3 =	vand.u32 $0x7, v3  }
0x1c9: {  	v3 =	vor.u32 v3, v4  }
0x1ca: {  	v4 =	vperm.xlane v3, v0;
	_ =	sdelay $0x1  }
0x1cb: {  	v4 =	vadd.s32 v1, v4;
	_ =	sdelay $0x3  }
0x1cc: {  	s17 =	simm.s32 $0x200;
	s15 =	simm.s32 $0x0;
	v3 =	vperm.xlane v3, v2  }
0x1cd: {  	[tilespmem:s17], [sflag:$0x1] =	stream.indirect_vreg.gather [hbm4b:s1+s15], $0x80, v4, vm0, $0xb8;
	[tilespmem:$0x18200] =	vst v63  }
0x1ce: {  	s18 =	simm.s32 $0xA00;
	v3 =	vadd.s32 v1, v3  }
0x1cf: {  	[tilespmem:s18], [sflag:$0x1] =	stream.indirect_vreg.gather [hbm4b:s5+s15], $0x80, v4, vm0, $0xb8;
	[tilespmem:$0x18200] =	vst v63  }
0x1d0: {  	s19 =	simm.s32 $0x1200  }
0x1d1: {  	[tilespmem:s19], [sflag:$0x1] =	stream.indirect_vreg.gather [hbm4b:s7+s15], $0x80, v4, vm0, $0xb8;
	[tilespmem:$0x18200] =	vst v63  }
0x1d2: {  	s20 =	simm.s32 $0x1A00  }
0x1d3: {  	[tilespmem:s20], [sflag:$0x1] =	stream.indirect_vreg.gather [hbm4b:s1+s15], $0x80, v3, vm0, $0xb8;
	[tilespmem:$0x18200] =	vst v63  }
0x1d4: {  	s17 =	simm.s32 $0x2200  }
0x1d5: {  	[tilespmem:s17], [sflag:$0x1] =	stream.indirect_vreg.gather [hbm4b:s5+s15], $0x80, v3, vm0, $0xb8;
	[tilespmem:$0x18200] =	vst v63  }
0x1d6: {  	s18 =	simm.s32 $0x2A00  }
0x1d7: {  	[tilespmem:s18], [sflag:$0x1] =	stream.indirect_vreg.gather [hbm4b:s7+s15], $0x80, v3, vm0, $0xb8;
	[tilespmem:$0x18200] =	vst v63  }
0x1d8: {  	v3 =	vld [tilespmem:$0x110];
	_ =	sdelay $0x4  }
0x1d9: {  	v61 =	vshrl.u32 v3, $0x3  }
0x1da: {  	v4 =	vmul.u32 $0x30, v61  }
0x1db: {  	v3 =	vand.u32 $0x7, v3  }
0x1dc: {  	v3 =	vor.u32 v3, v4  }
0x1dd: {  	v4 =	vperm.xlane v3, v0;
	_ =	sdelay $0x1  }
0x1de: {  	v4 =	vadd.s32 v1, v4;
	_ =	sdelay $0x3  }
0x1df: {  	s19 =	simm.s32 $0x3200;
	v3 =	vperm.xlane v3, v2  }
0x1e0: {  	[tilespmem:s19], [sflag:$0x1] =	stream.indirect_vreg.gather [hbm4b:s1+s15], $0x80, v4, vm0, $0xb8;
	[tilespmem:$0x18200] =	vst v63  }
0x1e1: {  	s20 =	simm.s32 $0x3A00;
	v3 =	vadd.s32 v1, v3  }
0x1e2: {  	[tilespmem:s20], [sflag:$0x1] =	stream.indirect_vreg.gather [hbm4b:s5+s15], $0x80, v4, vm0, $0xb8;
	[tilespmem:$0x18200] =	vst v63  }
0x1e3: {  	s17 =	simm.s32 $0x4200  }
0x1e4: {  	[tilespmem:s17], [sflag:$0x1] =	stream.indirect_vreg.gather [hbm4b:s7+s15], $0x80, v4, vm0, $0xb8;
	[tilespmem:$0x18200] =	vst v63  }
0x1e5: {  	s18 =	simm.s32 $0x4A00  }
0x1e6: {  	[tilespmem:s18], [sflag:$0x1] =	stream.indirect_vreg.gather [hbm4b:s1+s15], $0x80, v3, vm0, $0xb8;
	[tilespmem:$0x18200] =	vst v63  }
0x1e7: {  	s19 =	simm.s32 $0x5200  }
0x1e8: {  	[tilespmem:s19], [sflag:$0x1] =	stream.indirect_vreg.gather [hbm4b:s5+s15], $0x80, v3, vm0, $0xb8;
	[tilespmem:$0x18200] =	vst v63  }
0x1e9: {  	s20 =	simm.s32 $0x5A00  }
0x1ea: {  	[tilespmem:s20], [sflag:$0x1] =	stream.indirect_vreg.gather [hbm4b:s7+s15], $0x80, v3, vm0, $0xb8;
	[tilespmem:$0x18200] =	vst v63  }
0x1eb: {  	v3 =	vld [tilespmem:$0x120];
	_ =	sdelay $0x4  }
0x1ec: {  	v62 =	vshrl.u32 v3, $0x3  }
0x1ed: {  	v4 =	vmul.u32 $0x30, v62  }
0x1ee: {  	v3 =	vand.u32 $0x7, v3  }
0x1ef: {  	v3 =	vor.u32 v3, v4  }
0x1f0: {  	v4 =	vperm.xlane v3, v0;
	_ =	sdelay $0x1  }
0x1f1: {  	v4 =	vadd.s32 v1, v4;
	_ =	sdelay $0x3  }
0x1f2: {  	s17 =	simm.s32 $0x6200;
	v3 =	vperm.xlane v3, v2  }
0x1f3: {  	[tilespmem:s17], [sflag:$0x1] =	stream.indirect_vreg.gather [hbm4b:s1+s15], $0x80, v4, vm0, $0xb8;
	[tilespmem:$0x18200] =	vst v63  }
0x1f4: {  	s18 =	simm.s32 $0x6A00;
	v3 =	vadd.s32 v1, v3  }
0x1f5: {  	[tilespmem:s18], [sflag:$0x1] =	stream.indirect_vreg.gather [hbm4b:s5+s15], $0x80, v4, vm0, $0xb8;
	[tilespmem:$0x18200] =	vst v63  }
0x1f6: {  	s19 =	simm.s32 $0x7200  }
0x1f7: {  	[tilespmem:s19], [sflag:$0x1] =	stream.indirect_vreg.gather [hbm4b:s7+s15], $0x80, v4, vm0, $0xb8;
	[tilespmem:$0x18200] =	vst v63  }
0x1f8: {  	s20 =	simm.s32 $0x7A00  }
0x1f9: {  	[tilespmem:s20], [sflag:$0x1] =	stream.indirect_vreg.gather [hbm4b:s1+s15], $0x80, v3, vm0, $0xb8;
	[tilespmem:$0x18200] =	vst v63  }
0x1fa: {  	s17 =	simm.s32 $0x8200  }
0x1fb: {  	[tilespmem:s17], [sflag:$0x1] =	stream.indirect_vreg.gather [hbm4b:s5+s15], $0x80, v3, vm0, $0xb8;
	[tilespmem:$0x18200] =	vst v63  }
0x1fc: {  	s18 =	simm.s32 $0x8A00  }
0x1fd: {  	[tilespmem:s18], [sflag:$0x1] =	stream.indirect_vreg.gather [hbm4b:s7+s15], $0x80, v3, vm0, $0xb8;
	[tilespmem:$0x18200] =	vst v63  }
0x1fe: {  	v3 =	vld [tilespmem:$0x130];
	_ =	sdelay $0x4  }
0x1ff: {  	v63 =	vshrl.u32 v3, $0x3  }
0x200: {  	v4 =	vmul.u32 $0x30, v63  }
0x201: {  	v3 =	vand.u32 $0x7, v3  }
0x202: {  	v3 =	vor.u32 v3, v4  }
0x203: {  	v4 =	vperm.xlane v3, v0;
	_ =	sdelay $0x1  }
0x204: {  	v4 =	vadd.s32 v1, v4;
	_ =	sdelay $0x3  }
0x205: {  	s19 =	simm.s32 $0x9200;
	v3 =	vperm.xlane v3, v2  }
0x206: {  	[tilespmem:s19], [sflag:$0x1] =	stream.indirect_vreg.gather [hbm4b:s1+s15], $0x80, v4, vm0, $0xb8;
	[tilespmem:$0x18200] =	vst v63  }
0x207: {  	s20 =	simm.s32 $0x9A00;
	v3 =	vadd.s32 v1, v3  }
0x208: {  	[tilespmem:s20], [sflag:$0x1] =	stream.indirect_vreg.gather [hbm4b:s5+s15], $0x80, v4, vm0, $0xb8;
	[tilespmem:$0x18200] =	vst v63  }
0x209: {  	s17 =	simm.s32 $0xA200  }
0x20a: {  	[tilespmem:s17], [sflag:$0x1] =	stream.indirect_vreg.gather [hbm4b:s7+s15], $0x80, v4, vm0, $0xb8;
	[tilespmem:$0x18200] =	vst v63  }
0x20b: {  	s18 =	simm.s32 $0xAA00  }
0x20c: {  	[tilespmem:s18], [sflag:$0x1] =	stream.indirect_vreg.gather [hbm4b:s1+s15], $0x80, v3, vm0, $0xb8;
	[tilespmem:$0x18200] =	vst v63  }
0x20d: {  	s19 =	simm.s32 $0xB200  }
0x20e: {  	[tilespmem:s19], [sflag:$0x1] =	stream.indirect_vreg.gather [hbm4b:s5+s15], $0x80, v3, vm0, $0xb8;
	[tilespmem:$0x18200] =	vst v63  }
0x20f: {  	s20 =	simm.s32 $0xBA00  }
0x210: {  	[tilespmem:s20], [sflag:$0x1] =	stream.indirect_vreg.gather [hbm4b:s7+s15], $0x80, v3, vm0, $0xb8;
	[tilespmem:$0x18200] =	vst v63  }
0x211: {  	_ =	swait.ge [sflag:s2], $0xC000  }
0x212: {  	[sflag:s2] =	ssyncset.done $0x0  }
0x213: {  	s16 =	simm.s32 $0xC200;
	[sflag:s2] =	ssyncadd.s32 $0xFFFF4000  }
0x214: {  	[hbm4b:s10+s29] =	stream.strided.scatter [tilespmem:s16], [sflag:$0x4], $0x400, s30, s29, $0x38;
	[tilespmem:$0x18200] =	vst v63  }
0x215: {  	s17 =	simm.s32 $0xC600;
	s18 =	sadd.s32 $0x10, s10  }
0x216: {  	[hbm4b:s18+s29] =	stream.strided.scatter [tilespmem:s17], [sflag:$0x4], $0x400, s30, s29, $0x38;
	[tilespmem:$0x18200] =	vst v63  }
0x217: {  	s19 =	simm.s32 $0xCA00;
	s20 =	sadd.s32 $0x20, s10  }
0x218: {  	[hbm4b:s20+s29] =	stream.strided.scatter [tilespmem:s19], [sflag:$0x4], $0x400, s30, s29, $0x38;
	[tilespmem:$0x18200] =	vst v63  }
0x219: {  	s15 =	simm.s32 $0x1800;
	s17 =	simm.s32 $0xCE00;
	s18 =	sadd.s32 $0x30, s10  }
0x21a: {  	[hbm4b:s18+s29] =	stream.strided.scatter [tilespmem:s17], [sflag:$0x4], $0x400, s30, s29, $0x38;
	[tilespmem:$0x18200] =	vst v63  }
0x21b: {  	s16 =	sadd.s32 $0x300, s10;
	s19 =	simm.s32 $0xD200;
	s20 =	sadd.s32 $0x40, s10  }
0x21c: {  	[hbm4b:s20+s29] =	stream.strided.scatter [tilespmem:s19], [sflag:$0x4], $0x400, s30, s29, $0x38;
	[tilespmem:$0x18200] =	vst v63  }
0x21d: {  	s17 =	simm.s32 $0xC000;
	s18 =	simm.s32 $0xD600;
	s19 =	sadd.s32 $0x50, s10  }
.LBB2_8:
0x21e: {  	[hbm4b:s19+s29] =	stream.strided.scatter [tilespmem:s18], [sflag:$0x4], $0x400, s30, s29, $0x38;
	[tilespmem:$0x18200] =	vst v63  }
0x21f: {  	s18 =	smov.u32 s15;
	s15 =	smov.u32 s17  }
0x220: {  	s20 =	sadd.s32 $0x6000, s17;
	s15 =	sshra.s32 s15, $0x2;
	s19 =	sadd.s32 $0xC200, s18  }
0x221: {  	[hbm4b:s16+s29] =	stream.strided.scatter [tilespmem:s19], [sflag:$0x4], $0x400, s30, s29, $0x38;
	[tilespmem:$0x18200] =	vst v63  }
0x222: {  	p0 =	sne.s32 s17, $0x2A000;
	s17 =	sadd.s32 $0xC600, s18;
	s19 =	sadd.s32 $0x10, s16  }
0x223: {  	[hbm4b:s19+s29] =	stream.strided.scatter [tilespmem:s17], [sflag:$0x4], $0x400, s30, s29, $0x38;
	[tilespmem:$0x18200] =	vst v63  }
0x224: {  	s17 =	sadd.s32 $0xCA00, s18;
	s19 =	sadd.s32 $0x20, s16  }
0x225: {  	[hbm4b:s19+s29] =	stream.strided.scatter [tilespmem:s17], [sflag:$0x4], $0x400, s30, s29, $0x38;
	[tilespmem:$0x18200] =	vst v63  }
.Ltmp3:
0x226: {  	s17 =	sadd.s32 $0xCE00, s18;
	s19 =	sadd.s32 $0x30, s16;
	(pc) =	sbr.rel @p0 .LBB2_8-.Ltmp3, $4  }
0x227: {  	[hbm4b:s19+s29] =	stream.strided.scatter [tilespmem:s17], [sflag:$0x4], $0x400, s30, s29, $0x38;
	[tilespmem:$0x18200] =	vst v63  }
0x228: {  	s17 =	sadd.s32 $0xD200, s18;
	s19 =	sadd.s32 $0x40, s16;
	s18 =	sadd.s32 $0xD600, s18  }
0x229: {  	[hbm4b:s19+s29] =	stream.strided.scatter [tilespmem:s17], [sflag:$0x4], $0x400, s30, s29, $0x38;
	[tilespmem:$0x18200] =	vst v63  }
0x22a: {  	s19 =	sadd.s32 $0x50, s16;
	s16 =	sadd.s32 $0x300, s16;
	s17 =	smov.u32 s20  }
0x22b: {  	[hbm4b:s19+s29] =	stream.strided.scatter [tilespmem:s18], [sflag:$0x4], $0x400, s30, s29, $0x38;
	[tilespmem:$0x18200] =	vst v63  }
0x22c: {  	s17 =	sadd.s32 $0xC200, s15  }
0x22d: {  	[hbm4b:s16+s29] =	stream.strided.scatter [tilespmem:s17], [sflag:$0x4], $0x400, s30, s29, $0x38;
	[tilespmem:$0x18200] =	vst v63  }
0x22e: {  	s19 =	sadd.s32 $0xC600, s15;
	s20 =	sadd.s32 $0x10, s16  }
0x22f: {  	[hbm4b:s20+s29] =	stream.strided.scatter [tilespmem:s19], [sflag:$0x4], $0x400, s30, s29, $0x38;
	[tilespmem:$0x18200] =	vst v63  }
0x230: {  	s19 =	sadd.s32 $0xCA00, s15;
	s20 =	sadd.s32 $0x20, s16  }
0x231: {  	[hbm4b:s20+s29] =	stream.strided.scatter [tilespmem:s19], [sflag:$0x4], $0x400, s30, s29, $0x38;
	[tilespmem:$0x18200] =	vst v63  }
0x232: {  	s19 =	sadd.s32 $0xCE00, s15;
	s20 =	sadd.s32 $0x30, s16  }
0x233: {  	[hbm4b:s20+s29] =	stream.strided.scatter [tilespmem:s19], [sflag:$0x4], $0x400, s30, s29, $0x38;
	[tilespmem:$0x18200] =	vst v63  }
0x234: {  	s19 =	sadd.s32 $0xD200, s15;
	s20 =	sadd.s32 $0x40, s16  }
0x235: {  	[hbm4b:s20+s29] =	stream.strided.scatter [tilespmem:s19], [sflag:$0x4], $0x400, s30, s29, $0x38;
	[tilespmem:$0x18200] =	vst v63  }
0x236: {  	s18 =	sadd.s32 $0x50, s16;
	s17 =	sadd.s32 $0xD600, s15  }
0x237: {  	[hbm4b:s18+s29] =	stream.strided.scatter [tilespmem:s17], [sflag:$0x4], $0x400, s30, s29, $0x38;
	[tilespmem:$0x18200] =	vst v63  }
0x238: {  	_ =	swait.ge [sflag:s0], $0xC000  }
0x239: {  	[sflag:s0] =	ssyncset.done $0x0  }
0x23a: {  	[sflag:s0] =	ssyncadd.s32 $0xFFFF4000  }
0x23b: {  	v3 =	vld [tilespmem:$0x140];
	_ =	sdelay $0x4  }
0x23c: {  	v4 =	vshrl.u32 v3, $0x3  }
0x23d: {  	v4 =	vmul.u32 $0x30, v4  }
0x23e: {  	v3 =	vand.u32 $0x7, v3  }
0x23f: {  	v3 =	vor.u32 v3, v4  }
0x240: {  	v4 =	vperm.xlane v3, v0;
	_ =	sdelay $0x1  }
0x241: {  	v4 =	vadd.s32 v1, v4;
	_ =	sdelay $0x3  }
0x242: {  	s15 =	simm.s32 $0x0;
	s19 =	simm.s32 $0xC200;
	v3 =	vperm.xlane v3, v2  }
0x243: {  	[tilespmem:s19], [sflag:$0x2] =	stream.indirect_vreg.gather [hbm4b:s1+s15], $0x80, v4, vm0, $0xb8;
	[tilespmem:$0x18200] =	vst v63  }
0x244: {  	s20 =	simm.s32 $0xCA00;
	v3 =	vadd.s32 v1, v3  }
0x245: {  	[tilespmem:s20], [sflag:$0x2] =	stream.indirect_vreg.gather [hbm4b:s5+s15], $0x80, v4, vm0, $0xb8;
	[tilespmem:$0x18200] =	vst v63  }
0x246: {  	s17 =	simm.s32 $0xD200  }
0x247: {  	[tilespmem:s17], [sflag:$0x2] =	stream.indirect_vreg.gather [hbm4b:s7+s15], $0x80, v4, vm0, $0xb8;
	[tilespmem:$0x18200] =	vst v63  }
0x248: {  	s18 =	simm.s32 $0xDA00  }
0x249: {  	[tilespmem:s18], [sflag:$0x2] =	stream.indirect_vreg.gather [hbm4b:s1+s15], $0x80, v3, vm0, $0xb8;
	[tilespmem:$0x18200] =	vst v63  }
0x24a: {  	s19 =	simm.s32 $0xE200  }
0x24b: {  	[tilespmem:s19], [sflag:$0x2] =	stream.indirect_vreg.gather [hbm4b:s5+s15], $0x80, v3, vm0, $0xb8;
	[tilespmem:$0x18200] =	vst v63  }
0x24c: {  	s20 =	simm.s32 $0xEA00  }
0x24d: {  	[tilespmem:s20], [sflag:$0x2] =	stream.indirect_vreg.gather [hbm4b:s7+s15], $0x80, v3, vm0, $0xb8;
	[tilespmem:$0x18200] =	vst v63  }
0x24e: {  	v3 =	vld [tilespmem:$0x150];
	_ =	sdelay $0x4  }
0x24f: {  	v61 =	vshrl.u32 v3, $0x3  }
0x250: {  	v4 =	vmul.u32 $0x30, v61  }
0x251: {  	v3 =	vand.u32 $0x7, v3  }
0x252: {  	v3 =	vor.u32 v3, v4  }
0x253: {  	v4 =	vperm.xlane v3, v0;
	_ =	sdelay $0x1  }
0x254: {  	v4 =	vadd.s32 v1, v4;
	_ =	sdelay $0x3  }
0x255: {  	s17 =	simm.s32 $0xF200;
	v3 =	vperm.xlane v3, v2  }
0x256: {  	[tilespmem:s17], [sflag:$0x2] =	stream.indirect_vreg.gather [hbm4b:s1+s15], $0x80, v4, vm0, $0xb8;
	[tilespmem:$0x18200] =	vst v63  }
0x257: {  	s18 =	simm.s32 $0xFA00;
	v3 =	vadd.s32 v1, v3  }
0x258: {  	[tilespmem:s18], [sflag:$0x2] =	stream.indirect_vreg.gather [hbm4b:s5+s15], $0x80, v4, vm0, $0xb8;
	[tilespmem:$0x18200] =	vst v63  }
0x259: {  	s19 =	simm.s32 $0x10200  }
0x25a: {  	[tilespmem:s19], [sflag:$0x2] =	stream.indirect_vreg.gather [hbm4b:s7+s15], $0x80, v4, vm0, $0xb8;
	[tilespmem:$0x18200] =	vst v63  }
0x25b: {  	s20 =	simm.s32 $0x10A00  }
0x25c: {  	[tilespmem:s20], [sflag:$0x2] =	stream.indirect_vreg.gather [hbm4b:s1+s15], $0x80, v3, vm0, $0xb8;
	[tilespmem:$0x18200] =	vst v63  }
0x25d: {  	s17 =	simm.s32 $0x11200  }
0x25e: {  	[tilespmem:s17], [sflag:$0x2] =	stream.indirect_vreg.gather [hbm4b:s5+s15], $0x80, v3, vm0, $0xb8;
	[tilespmem:$0x18200] =	vst v63  }
0x25f: {  	s18 =	simm.s32 $0x11A00  }
0x260: {  	[tilespmem:s18], [sflag:$0x2] =	stream.indirect_vreg.gather [hbm4b:s7+s15], $0x80, v3, vm0, $0xb8;
	[tilespmem:$0x18200] =	vst v63  }
0x261: {  	v3 =	vld [tilespmem:$0x160];
	_ =	sdelay $0x4  }
0x262: {  	v62 =	vshrl.u32 v3, $0x3  }
0x263: {  	v4 =	vmul.u32 $0x30, v62  }
0x264: {  	v3 =	vand.u32 $0x7, v3  }
0x265: {  	v3 =	vor.u32 v3, v4  }
0x266: {  	v4 =	vperm.xlane v3, v0;
	_ =	sdelay $0x1  }
0x267: {  	v4 =	vadd.s32 v1, v4;
	_ =	sdelay $0x3  }
0x268: {  	s19 =	simm.s32 $0x12200;
	v3 =	vperm.xlane v3, v2  }
0x269: {  	[tilespmem:s19], [sflag:$0x2] =	stream.indirect_vreg.gather [hbm4b:s1+s15], $0x80, v4, vm0, $0xb8;
	[tilespmem:$0x18200] =	vst v63  }
0x26a: {  	s20 =	simm.s32 $0x12A00;
	v3 =	vadd.s32 v1, v3  }
0x26b: {  	[tilespmem:s20], [sflag:$0x2] =	stream.indirect_vreg.gather [hbm4b:s5+s15], $0x80, v4, vm0, $0xb8;
	[tilespmem:$0x18200] =	vst v63  }
0x26c: {  	s17 =	simm.s32 $0x13200  }
0x26d: {  	[tilespmem:s17], [sflag:$0x2] =	stream.indirect_vreg.gather [hbm4b:s7+s15], $0x80, v4, vm0, $0xb8;
	[tilespmem:$0x18200] =	vst v63  }
0x26e: {  	s18 =	simm.s32 $0x13A00  }
0x26f: {  	[tilespmem:s18], [sflag:$0x2] =	stream.indirect_vreg.gather [hbm4b:s1+s15], $0x80, v3, vm0, $0xb8;
	[tilespmem:$0x18200] =	vst v63  }
0x270: {  	s19 =	simm.s32 $0x14200  }
0x271: {  	[tilespmem:s19], [sflag:$0x2] =	stream.indirect_vreg.gather [hbm4b:s5+s15], $0x80, v3, vm0, $0xb8;
	[tilespmem:$0x18200] =	vst v63  }
0x272: {  	s20 =	simm.s32 $0x14A00  }
0x273: {  	[tilespmem:s20], [sflag:$0x2] =	stream.indirect_vreg.gather [hbm4b:s7+s15], $0x80, v3, vm0, $0xb8;
	[tilespmem:$0x18200] =	vst v63  }
0x274: {  	v3 =	vld [tilespmem:$0x170];
	_ =	sdelay $0x4  }
0x275: {  	v63 =	vshrl.u32 v3, $0x3  }
0x276: {  	v4 =	vmul.u32 $0x30, v63  }
0x277: {  	v3 =	vand.u32 $0x7, v3  }
0x278: {  	v3 =	vor.u32 v3, v4  }
0x279: {  	v4 =	vperm.xlane v3, v0;
	_ =	sdelay $0x1  }
0x27a: {  	v4 =	vadd.s32 v1, v4;
	_ =	sdelay $0x3  }
0x27b: {  	v3 =	vperm.xlane v3, v2  }
0x27c: {  	[tilespmem:s21], [sflag:$0x2] =	stream.indirect_vreg.gather [hbm4b:s1+s15], $0x80, v4, vm0, $0xb8;
	[tilespmem:$0x18200] =	vst v63  }
0x27d: {  	v3 =	vadd.s32 v1, v3  }
0x27e: {  	[tilespmem:s22], [sflag:$0x2] =	stream.indirect_vreg.gather [hbm4b:s5+s15], $0x80, v4, vm0, $0xb8;
	[tilespmem:$0x18200] =	vst v63  }
0x27f: {  	_ = 	snop  }
0x280: {  	[tilespmem:s23], [sflag:$0x2] =	stream.indirect_vreg.gather [hbm4b:s7+s15], $0x80, v4, vm0, $0xb8;
	[tilespmem:$0x18200] =	vst v63  }
0x281: {  	_ = 	snop  }
0x282: {  	[tilespmem:s24], [sflag:$0x2] =	stream.indirect_vreg.gather [hbm4b:s1+s15], $0x80, v3, vm0, $0xb8;
	[tilespmem:$0x18200] =	vst v63  }
0x283: {  	_ = 	snop  }
0x284: {  	[tilespmem:s25], [sflag:$0x2] =	stream.indirect_vreg.gather [hbm4b:s5+s15], $0x80, v3, vm0, $0xb8;
	[tilespmem:$0x18200] =	vst v63  }
0x285: {  	_ = 	snop  }
0x286: {  	[tilespmem:s26], [sflag:$0x2] =	stream.indirect_vreg.gather [hbm4b:s7+s15], $0x80, v3, vm0, $0xb8;
	[tilespmem:$0x18200] =	vst v63  }
0x287: {  	_ =	swait.ge [sflag:s28], $0xC000  }
0x288: {  	[sflag:s28] =	ssyncset.done $0x0  }
0x289: {  	s16 =	simm.s32 $0x200;
	[sflag:s28] =	ssyncadd.s32 $0xFFFF4000  }
0x28a: {  	[hbm4b:s11+s29] =	stream.strided.scatter [tilespmem:s16], [sflag:$0x3], $0x400, s30, s29, $0x38;
	[tilespmem:$0x18200] =	vst v63  }
0x28b: {  	s17 =	simm.s32 $0x600;
	s18 =	sadd.s32 $0x10, s11  }
0x28c: {  	[hbm4b:s18+s29] =	stream.strided.scatter [tilespmem:s17], [sflag:$0x3], $0x400, s30, s29, $0x38;
	[tilespmem:$0x18200] =	vst v63  }
0x28d: {  	s19 =	simm.s32 $0xA00;
	s20 =	sadd.s32 $0x20, s11  }
0x28e: {  	[hbm4b:s20+s29] =	stream.strided.scatter [tilespmem:s19], [sflag:$0x3], $0x400, s30, s29, $0x38;
	[tilespmem:$0x18200] =	vst v63  }
0x28f: {  	s15 =	simm.s32 $0x1800;
	s17 =	simm.s32 $0xE00;
	s18 =	sadd.s32 $0x30, s11  }
0x290: {  	[hbm4b:s18+s29] =	stream.strided.scatter [tilespmem:s17], [sflag:$0x3], $0x400, s30, s29, $0x38;
	[tilespmem:$0x18200] =	vst v63  }
0x291: {  	s16 =	sadd.s32 $0x300, s11;
	s19 =	simm.s32 $0x1200;
	s20 =	sadd.s32 $0x40, s11  }
0x292: {  	[hbm4b:s20+s29] =	stream.strided.scatter [tilespmem:s19], [sflag:$0x3], $0x400, s30, s29, $0x38;
	[tilespmem:$0x18200] =	vst v63  }
0x293: {  	s17 =	simm.s32 $0xC000;
	s18 =	simm.s32 $0x1600;
	s19 =	sadd.s32 $0x50, s11  }
.LBB2_10:
0x294: {  	[hbm4b:s19+s29] =	stream.strided.scatter [tilespmem:s18], [sflag:$0x3], $0x400, s30, s29, $0x38;
	[tilespmem:$0x18200] =	vst v63  }
0x295: {  	s18 =	smov.u32 s15;
	s15 =	smov.u32 s17  }
0x296: {  	s20 =	sadd.s32 $0x6000, s17;
	s15 =	sshra.s32 s15, $0x2;
	s19 =	sadd.s32 $0x200, s18  }
0x297: {  	[hbm4b:s16+s29] =	stream.strided.scatter [tilespmem:s19], [sflag:$0x3], $0x400, s30, s29, $0x38;
	[tilespmem:$0x18200] =	vst v63  }
0x298: {  	p0 =	sne.s32 s17, $0x2A000;
	s17 =	sadd.s32 $0x600, s18;
	s19 =	sadd.s32 $0x10, s16  }
0x299: {  	[hbm4b:s19+s29] =	stream.strided.scatter [tilespmem:s17], [sflag:$0x3], $0x400, s30, s29, $0x38;
	[tilespmem:$0x18200] =	vst v63  }
0x29a: {  	s17 =	sadd.s32 $0xA00, s18;
	s19 =	sadd.s32 $0x20, s16  }
0x29b: {  	[hbm4b:s19+s29] =	stream.strided.scatter [tilespmem:s17], [sflag:$0x3], $0x400, s30, s29, $0x38;
	[tilespmem:$0x18200] =	vst v63  }
.Ltmp4:
0x29c: {  	s17 =	sadd.s32 $0xE00, s18;
	s19 =	sadd.s32 $0x30, s16;
	(pc) =	sbr.rel @p0 .LBB2_10-.Ltmp4, $4  }
0x29d: {  	[hbm4b:s19+s29] =	stream.strided.scatter [tilespmem:s17], [sflag:$0x3], $0x400, s30, s29, $0x38;
	[tilespmem:$0x18200] =	vst v63  }
0x29e: {  	s17 =	sadd.s32 $0x1200, s18;
	s19 =	sadd.s32 $0x40, s16;
	s18 =	sadd.s32 $0x1600, s18  }
0x29f: {  	[hbm4b:s19+s29] =	stream.strided.scatter [tilespmem:s17], [sflag:$0x3], $0x400, s30, s29, $0x38;
	[tilespmem:$0x18200] =	vst v63  }
0x2a0: {  	s19 =	sadd.s32 $0x50, s16;
	s16 =	sadd.s32 $0x300, s16;
	s17 =	smov.u32 s20  }
0x2a1: {  	[hbm4b:s19+s29] =	stream.strided.scatter [tilespmem:s18], [sflag:$0x3], $0x400, s30, s29, $0x38;
	[tilespmem:$0x18200] =	vst v63  }
0x2a2: {  	s17 =	sadd.s32 $0x200, s15  }
0x2a3: {  	[hbm4b:s16+s29] =	stream.strided.scatter [tilespmem:s17], [sflag:$0x3], $0x400, s30, s29, $0x38;
	[tilespmem:$0x18200] =	vst v63  }
0x2a4: {  	s19 =	sadd.s32 $0x600, s15;
	s20 =	sadd.s32 $0x10, s16  }
0x2a5: {  	[hbm4b:s20+s29] =	stream.strided.scatter [tilespmem:s19], [sflag:$0x3], $0x400, s30, s29, $0x38;
	[tilespmem:$0x18200] =	vst v63  }
0x2a6: {  	s19 =	sadd.s32 $0xA00, s15;
	s20 =	sadd.s32 $0x20, s16  }
0x2a7: {  	[hbm4b:s20+s29] =	stream.strided.scatter [tilespmem:s19], [sflag:$0x3], $0x400, s30, s29, $0x38;
	[tilespmem:$0x18200] =	vst v63  }
0x2a8: {  	s19 =	sadd.s32 $0xE00, s15;
	s20 =	sadd.s32 $0x30, s16  }
0x2a9: {  	[hbm4b:s20+s29] =	stream.strided.scatter [tilespmem:s19], [sflag:$0x3], $0x400, s30, s29, $0x38;
	[tilespmem:$0x18200] =	vst v63  }
0x2aa: {  	s19 =	sadd.s32 $0x1200, s15;
	s20 =	sadd.s32 $0x40, s16  }
0x2ab: {  	[hbm4b:s20+s29] =	stream.strided.scatter [tilespmem:s19], [sflag:$0x3], $0x400, s30, s29, $0x38;
	[tilespmem:$0x18200] =	vst v63  }
0x2ac: {  	s19 =	sadd.s32 $0x1600, s15;
	s20 =	sadd.s32 $0x50, s16  }
0x2ad: {  	[hbm4b:s20+s29] =	stream.strided.scatter [tilespmem:s19], [sflag:$0x3], $0x400, s30, s29, $0x38;
	[tilespmem:$0x18200] =	vst v63  }
0x2ae: {  	_ =	swait.ge [sflag:s31], $0xC000  }
0x2af: {  	[sflag:s31] =	ssyncset.done $0x0  }
0x2b0: {  	[sflag:s31] =	ssyncadd.s32 $0xFFFF4000  }
0x2b1: {  	v3 =	vld [tilespmem:$0x180];
	_ =	sdelay $0x4  }
0x2b2: {  	v4 =	vshrl.u32 v3, $0x3  }
0x2b3: {  	v4 =	vmul.u32 $0x30, v4  }
0x2b4: {  	v3 =	vand.u32 $0x7, v3  }
0x2b5: {  	v3 =	vor.u32 v3, v4  }
0x2b6: {  	v4 =	vperm.xlane v3, v0;
	_ =	sdelay $0x1  }
0x2b7: {  	v4 =	vadd.s32 v1, v4;
	_ =	sdelay $0x3  }
0x2b8: {  	s17 =	simm.s32 $0x200;
	s15 =	simm.s32 $0x0;
	v3 =	vperm.xlane v3, v2  }
0x2b9: {  	[tilespmem:s17], [sflag:$0x1] =	stream.indirect_vreg.gather [hbm4b:s1+s15], $0x80, v4, vm0, $0xb8;
	[tilespmem:$0x18200] =	vst v63  }
0x2ba: {  	s18 =	simm.s32 $0xA00;
	v3 =	vadd.s32 v1, v3  }
0x2bb: {  	[tilespmem:s18], [sflag:$0x1] =	stream.indirect_vreg.gather [hbm4b:s5+s15], $0x80, v4, vm0, $0xb8;
	[tilespmem:$0x18200] =	vst v63  }
0x2bc: {  	s19 =	simm.s32 $0x1200  }
0x2bd: {  	[tilespmem:s19], [sflag:$0x1] =	stream.indirect_vreg.gather [hbm4b:s7+s15], $0x80, v4, vm0, $0xb8;
	[tilespmem:$0x18200] =	vst v63  }
0x2be: {  	s20 =	simm.s32 $0x1A00  }
0x2bf: {  	[tilespmem:s20], [sflag:$0x1] =	stream.indirect_vreg.gather [hbm4b:s1+s15], $0x80, v3, vm0, $0xb8;
	[tilespmem:$0x18200] =	vst v63  }
0x2c0: {  	s17 =	simm.s32 $0x2200  }
0x2c1: {  	[tilespmem:s17], [sflag:$0x1] =	stream.indirect_vreg.gather [hbm4b:s5+s15], $0x80, v3, vm0, $0xb8;
	[tilespmem:$0x18200] =	vst v63  }
0x2c2: {  	s18 =	simm.s32 $0x2A00  }
0x2c3: {  	[tilespmem:s18], [sflag:$0x1] =	stream.indirect_vreg.gather [hbm4b:s7+s15], $0x80, v3, vm0, $0xb8;
	[tilespmem:$0x18200] =	vst v63  }
0x2c4: {  	v3 =	vld [tilespmem:$0x190];
	_ =	sdelay $0x4  }
0x2c5: {  	v61 =	vshrl.u32 v3, $0x3  }
0x2c6: {  	v4 =	vmul.u32 $0x30, v61  }
0x2c7: {  	v3 =	vand.u32 $0x7, v3  }
0x2c8: {  	v3 =	vor.u32 v3, v4  }
0x2c9: {  	v4 =	vperm.xlane v3, v0;
	_ =	sdelay $0x1  }
0x2ca: {  	v4 =	vadd.s32 v1, v4;
	_ =	sdelay $0x3  }
0x2cb: {  	s19 =	simm.s32 $0x3200;
	v3 =	vperm.xlane v3, v2  }
0x2cc: {  	[tilespmem:s19], [sflag:$0x1] =	stream.indirect_vreg.gather [hbm4b:s1+s15], $0x80, v4, vm0, $0xb8;
	[tilespmem:$0x18200] =	vst v63  }
0x2cd: {  	s20 =	simm.s32 $0x3A00;
	v3 =	vadd.s32 v1, v3  }
0x2ce: {  	[tilespmem:s20], [sflag:$0x1] =	stream.indirect_vreg.gather [hbm4b:s5+s15], $0x80, v4, vm0, $0xb8;
	[tilespmem:$0x18200] =	vst v63  }
0x2cf: {  	s17 =	simm.s32 $0x4200  }
0x2d0: {  	[tilespmem:s17], [sflag:$0x1] =	stream.indirect_vreg.gather [hbm4b:s7+s15], $0x80, v4, vm0, $0xb8;
	[tilespmem:$0x18200] =	vst v63  }
0x2d1: {  	s18 =	simm.s32 $0x4A00  }
0x2d2: {  	[tilespmem:s18], [sflag:$0x1] =	stream.indirect_vreg.gather [hbm4b:s1+s15], $0x80, v3, vm0, $0xb8;
	[tilespmem:$0x18200] =	vst v63  }
0x2d3: {  	s19 =	simm.s32 $0x5200  }
0x2d4: {  	[tilespmem:s19], [sflag:$0x1] =	stream.indirect_vreg.gather [hbm4b:s5+s15], $0x80, v3, vm0, $0xb8;
	[tilespmem:$0x18200] =	vst v63  }
0x2d5: {  	s20 =	simm.s32 $0x5A00  }
0x2d6: {  	[tilespmem:s20], [sflag:$0x1] =	stream.indirect_vreg.gather [hbm4b:s7+s15], $0x80, v3, vm0, $0xb8;
	[tilespmem:$0x18200] =	vst v63  }
0x2d7: {  	v3 =	vld [tilespmem:$0x1A0];
	_ =	sdelay $0x4  }
0x2d8: {  	v62 =	vshrl.u32 v3, $0x3  }
0x2d9: {  	v4 =	vmul.u32 $0x30, v62  }
0x2da: {  	v3 =	vand.u32 $0x7, v3  }
0x2db: {  	v3 =	vor.u32 v3, v4  }
0x2dc: {  	v4 =	vperm.xlane v3, v0;
	_ =	sdelay $0x1  }
0x2dd: {  	v4 =	vadd.s32 v1, v4;
	_ =	sdelay $0x3  }
0x2de: {  	s17 =	simm.s32 $0x6200;
	v3 =	vperm.xlane v3, v2  }
0x2df: {  	[tilespmem:s17], [sflag:$0x1] =	stream.indirect_vreg.gather [hbm4b:s1+s15], $0x80, v4, vm0, $0xb8;
	[tilespmem:$0x18200] =	vst v63  }
0x2e0: {  	s18 =	simm.s32 $0x6A00;
	v3 =	vadd.s32 v1, v3  }
0x2e1: {  	[tilespmem:s18], [sflag:$0x1] =	stream.indirect_vreg.gather [hbm4b:s5+s15], $0x80, v4, vm0, $0xb8;
	[tilespmem:$0x18200] =	vst v63  }
0x2e2: {  	s19 =	simm.s32 $0x7200  }
0x2e3: {  	[tilespmem:s19], [sflag:$0x1] =	stream.indirect_vreg.gather [hbm4b:s7+s15], $0x80, v4, vm0, $0xb8;
	[tilespmem:$0x18200] =	vst v63  }
0x2e4: {  	s20 =	simm.s32 $0x7A00  }
0x2e5: {  	[tilespmem:s20], [sflag:$0x1] =	stream.indirect_vreg.gather [hbm4b:s1+s15], $0x80, v3, vm0, $0xb8;
	[tilespmem:$0x18200] =	vst v63  }
0x2e6: {  	s17 =	simm.s32 $0x8200  }
0x2e7: {  	[tilespmem:s17], [sflag:$0x1] =	stream.indirect_vreg.gather [hbm4b:s5+s15], $0x80, v3, vm0, $0xb8;
	[tilespmem:$0x18200] =	vst v63  }
0x2e8: {  	s18 =	simm.s32 $0x8A00  }
0x2e9: {  	[tilespmem:s18], [sflag:$0x1] =	stream.indirect_vreg.gather [hbm4b:s7+s15], $0x80, v3, vm0, $0xb8;
	[tilespmem:$0x18200] =	vst v63  }
0x2ea: {  	v3 =	vld [tilespmem:$0x1B0];
	_ =	sdelay $0x4  }
0x2eb: {  	v63 =	vshrl.u32 v3, $0x3  }
0x2ec: {  	v4 =	vmul.u32 $0x30, v63  }
0x2ed: {  	v3 =	vand.u32 $0x7, v3  }
0x2ee: {  	v3 =	vor.u32 v3, v4  }
0x2ef: {  	v4 =	vperm.xlane v3, v0;
	_ =	sdelay $0x1  }
0x2f0: {  	v4 =	vadd.s32 v1, v4;
	_ =	sdelay $0x3  }
0x2f1: {  	s19 =	simm.s32 $0x9200;
	v3 =	vperm.xlane v3, v2  }
0x2f2: {  	[tilespmem:s19], [sflag:$0x1] =	stream.indirect_vreg.gather [hbm4b:s1+s15], $0x80, v4, vm0, $0xb8;
	[tilespmem:$0x18200] =	vst v63  }
0x2f3: {  	s20 =	simm.s32 $0x9A00;
	v3 =	vadd.s32 v1, v3  }
0x2f4: {  	[tilespmem:s20], [sflag:$0x1] =	stream.indirect_vreg.gather [hbm4b:s5+s15], $0x80, v4, vm0, $0xb8;
	[tilespmem:$0x18200] =	vst v63  }
0x2f5: {  	s17 =	simm.s32 $0xA200  }
0x2f6: {  	[tilespmem:s17], [sflag:$0x1] =	stream.indirect_vreg.gather [hbm4b:s7+s15], $0x80, v4, vm0, $0xb8;
	[tilespmem:$0x18200] =	vst v63  }
0x2f7: {  	s18 =	simm.s32 $0xAA00  }
0x2f8: {  	[tilespmem:s18], [sflag:$0x1] =	stream.indirect_vreg.gather [hbm4b:s1+s15], $0x80, v3, vm0, $0xb8;
	[tilespmem:$0x18200] =	vst v63  }
0x2f9: {  	s19 =	simm.s32 $0xB200  }
0x2fa: {  	[tilespmem:s19], [sflag:$0x1] =	stream.indirect_vreg.gather [hbm4b:s5+s15], $0x80, v3, vm0, $0xb8;
	[tilespmem:$0x18200] =	vst v63  }
0x2fb: {  	s20 =	simm.s32 $0xBA00  }
0x2fc: {  	[tilespmem:s20], [sflag:$0x1] =	stream.indirect_vreg.gather [hbm4b:s7+s15], $0x80, v3, vm0, $0xb8;
	[tilespmem:$0x18200] =	vst v63  }
0x2fd: {  	_ =	swait.ge [sflag:s2], $0xC000  }
0x2fe: {  	[sflag:s2] =	ssyncset.done $0x0  }
0x2ff: {  	s16 =	simm.s32 $0xC200;
	[sflag:s2] =	ssyncadd.s32 $0xFFFF4000  }
0x300: {  	[hbm4b:s12+s29] =	stream.strided.scatter [tilespmem:s16], [sflag:$0x4], $0x400, s30, s29, $0x38;
	[tilespmem:$0x18200] =	vst v63  }
0x301: {  	s17 =	simm.s32 $0xC600;
	s18 =	sadd.s32 $0x10, s12  }
0x302: {  	[hbm4b:s18+s29] =	stream.strided.scatter [tilespmem:s17], [sflag:$0x4], $0x400, s30, s29, $0x38;
	[tilespmem:$0x18200] =	vst v63  }
0x303: {  	s19 =	simm.s32 $0xCA00;
	s20 =	sadd.s32 $0x20, s12  }
0x304: {  	[hbm4b:s20+s29] =	stream.strided.scatter [tilespmem:s19], [sflag:$0x4], $0x400, s30, s29, $0x38;
	[tilespmem:$0x18200] =	vst v63  }
0x305: {  	s15 =	simm.s32 $0x1800;
	s17 =	simm.s32 $0xCE00;
	s18 =	sadd.s32 $0x30, s12  }
0x306: {  	[hbm4b:s18+s29] =	stream.strided.scatter [tilespmem:s17], [sflag:$0x4], $0x400, s30, s29, $0x38;
	[tilespmem:$0x18200] =	vst v63  }
0x307: {  	s16 =	sadd.s32 $0x300, s12;
	s19 =	simm.s32 $0xD200;
	s20 =	sadd.s32 $0x40, s12  }
0x308: {  	[hbm4b:s20+s29] =	stream.strided.scatter [tilespmem:s19], [sflag:$0x4], $0x400, s30, s29, $0x38;
	[tilespmem:$0x18200] =	vst v63  }
0x309: {  	s17 =	simm.s32 $0xC000;
	s18 =	simm.s32 $0xD600;
	s19 =	sadd.s32 $0x50, s12  }
.LBB2_12:
0x30a: {  	[hbm4b:s19+s29] =	stream.strided.scatter [tilespmem:s18], [sflag:$0x4], $0x400, s30, s29, $0x38;
	[tilespmem:$0x18200] =	vst v63  }
0x30b: {  	s18 =	smov.u32 s15;
	s15 =	smov.u32 s17  }
0x30c: {  	s20 =	sadd.s32 $0x6000, s17;
	s15 =	sshra.s32 s15, $0x2;
	s19 =	sadd.s32 $0xC200, s18  }
0x30d: {  	[hbm4b:s16+s29] =	stream.strided.scatter [tilespmem:s19], [sflag:$0x4], $0x400, s30, s29, $0x38;
	[tilespmem:$0x18200] =	vst v63  }
0x30e: {  	p0 =	sne.s32 s17, $0x2A000;
	s17 =	sadd.s32 $0xC600, s18;
	s19 =	sadd.s32 $0x10, s16  }
0x30f: {  	[hbm4b:s19+s29] =	stream.strided.scatter [tilespmem:s17], [sflag:$0x4], $0x400, s30, s29, $0x38;
	[tilespmem:$0x18200] =	vst v63  }
0x310: {  	s17 =	sadd.s32 $0xCA00, s18;
	s19 =	sadd.s32 $0x20, s16  }
0x311: {  	[hbm4b:s19+s29] =	stream.strided.scatter [tilespmem:s17], [sflag:$0x4], $0x400, s30, s29, $0x38;
	[tilespmem:$0x18200] =	vst v63  }
.Ltmp5:
0x312: {  	s17 =	sadd.s32 $0xCE00, s18;
	s19 =	sadd.s32 $0x30, s16;
	(pc) =	sbr.rel @p0 .LBB2_12-.Ltmp5, $4  }
0x313: {  	[hbm4b:s19+s29] =	stream.strided.scatter [tilespmem:s17], [sflag:$0x4], $0x400, s30, s29, $0x38;
	[tilespmem:$0x18200] =	vst v63  }
0x314: {  	s17 =	sadd.s32 $0xD200, s18;
	s19 =	sadd.s32 $0x40, s16;
	s18 =	sadd.s32 $0xD600, s18  }
0x315: {  	[hbm4b:s19+s29] =	stream.strided.scatter [tilespmem:s17], [sflag:$0x4], $0x400, s30, s29, $0x38;
	[tilespmem:$0x18200] =	vst v63  }
0x316: {  	s19 =	sadd.s32 $0x50, s16;
	s16 =	sadd.s32 $0x300, s16;
	s17 =	smov.u32 s20  }
0x317: {  	[hbm4b:s19+s29] =	stream.strided.scatter [tilespmem:s18], [sflag:$0x4], $0x400, s30, s29, $0x38;
	[tilespmem:$0x18200] =	vst v63  }
0x318: {  	s17 =	sadd.s32 $0xC200, s15  }
0x319: {  	[hbm4b:s16+s29] =	stream.strided.scatter [tilespmem:s17], [sflag:$0x4], $0x400, s30, s29, $0x38;
	[tilespmem:$0x18200] =	vst v63  }
0x31a: {  	s19 =	sadd.s32 $0xC600, s15;
	s20 =	sadd.s32 $0x10, s16  }
0x31b: {  	[hbm4b:s20+s29] =	stream.strided.scatter [tilespmem:s19], [sflag:$0x4], $0x400, s30, s29, $0x38;
	[tilespmem:$0x18200] =	vst v63  }
0x31c: {  	s19 =	sadd.s32 $0xCA00, s15;
	s20 =	sadd.s32 $0x20, s16  }
0x31d: {  	[hbm4b:s20+s29] =	stream.strided.scatter [tilespmem:s19], [sflag:$0x4], $0x400, s30, s29, $0x38;
	[tilespmem:$0x18200] =	vst v63  }
0x31e: {  	s19 =	sadd.s32 $0xCE00, s15;
	s20 =	sadd.s32 $0x30, s16  }
0x31f: {  	[hbm4b:s20+s29] =	stream.strided.scatter [tilespmem:s19], [sflag:$0x4], $0x400, s30, s29, $0x38;
	[tilespmem:$0x18200] =	vst v63  }
0x320: {  	s19 =	sadd.s32 $0xD200, s15;
	s20 =	sadd.s32 $0x40, s16  }
0x321: {  	[hbm4b:s20+s29] =	stream.strided.scatter [tilespmem:s19], [sflag:$0x4], $0x400, s30, s29, $0x38;
	[tilespmem:$0x18200] =	vst v63  }
0x322: {  	s18 =	sadd.s32 $0x50, s16;
	s17 =	sadd.s32 $0xD600, s15  }
0x323: {  	[hbm4b:s18+s29] =	stream.strided.scatter [tilespmem:s17], [sflag:$0x4], $0x400, s30, s29, $0x38;
	[tilespmem:$0x18200] =	vst v63  }
0x324: {  	_ =	swait.ge [sflag:s0], $0xC000  }
0x325: {  	[sflag:s0] =	ssyncset.done $0x0  }
0x326: {  	[sflag:s0] =	ssyncadd.s32 $0xFFFF4000  }
0x327: {  	v3 =	vld [tilespmem:$0x1C0];
	_ =	sdelay $0x4  }
0x328: {  	v4 =	vshrl.u32 v3, $0x3  }
0x329: {  	v4 =	vmul.u32 $0x30, v4  }
0x32a: {  	v3 =	vand.u32 $0x7, v3  }
0x32b: {  	v3 =	vor.u32 v3, v4  }
0x32c: {  	v4 =	vperm.xlane v3, v0;
	_ =	sdelay $0x1  }
0x32d: {  	v4 =	vadd.s32 v1, v4;
	_ =	sdelay $0x3  }
0x32e: {  	s15 =	simm.s32 $0x0;
	s19 =	simm.s32 $0xC200;
	v3 =	vperm.xlane v3, v2  }
0x32f: {  	[tilespmem:s19], [sflag:$0x2] =	stream.indirect_vreg.gather [hbm4b:s1+s15], $0x80, v4, vm0, $0xb8;
	[tilespmem:$0x18200] =	vst v63  }
0x330: {  	s20 =	simm.s32 $0xCA00;
	v3 =	vadd.s32 v1, v3  }
0x331: {  	[tilespmem:s20], [sflag:$0x2] =	stream.indirect_vreg.gather [hbm4b:s5+s15], $0x80, v4, vm0, $0xb8;
	[tilespmem:$0x18200] =	vst v63  }
0x332: {  	s17 =	simm.s32 $0xD200  }
0x333: {  	[tilespmem:s17], [sflag:$0x2] =	stream.indirect_vreg.gather [hbm4b:s7+s15], $0x80, v4, vm0, $0xb8;
	[tilespmem:$0x18200] =	vst v63  }
0x334: {  	s18 =	simm.s32 $0xDA00  }
0x335: {  	[tilespmem:s18], [sflag:$0x2] =	stream.indirect_vreg.gather [hbm4b:s1+s15], $0x80, v3, vm0, $0xb8;
	[tilespmem:$0x18200] =	vst v63  }
0x336: {  	s19 =	simm.s32 $0xE200  }
0x337: {  	[tilespmem:s19], [sflag:$0x2] =	stream.indirect_vreg.gather [hbm4b:s5+s15], $0x80, v3, vm0, $0xb8;
	[tilespmem:$0x18200] =	vst v63  }
0x338: {  	s20 =	simm.s32 $0xEA00  }
0x339: {  	[tilespmem:s20], [sflag:$0x2] =	stream.indirect_vreg.gather [hbm4b:s7+s15], $0x80, v3, vm0, $0xb8;
	[tilespmem:$0x18200] =	vst v63  }
0x33a: {  	v3 =	vld [tilespmem:$0x1D0];
	_ =	sdelay $0x4  }
0x33b: {  	v61 =	vshrl.u32 v3, $0x3  }
0x33c: {  	v4 =	vmul.u32 $0x30, v61  }
0x33d: {  	v3 =	vand.u32 $0x7, v3  }
0x33e: {  	v3 =	vor.u32 v3, v4  }
0x33f: {  	v4 =	vperm.xlane v3, v0;
	_ =	sdelay $0x1  }
0x340: {  	v4 =	vadd.s32 v1, v4;
	_ =	sdelay $0x3  }
0x341: {  	s17 =	simm.s32 $0xF200;
	v3 =	vperm.xlane v3, v2  }
0x342: {  	[tilespmem:s17], [sflag:$0x2] =	stream.indirect_vreg.gather [hbm4b:s1+s15], $0x80, v4, vm0, $0xb8;
	[tilespmem:$0x18200] =	vst v63  }
0x343: {  	s18 =	simm.s32 $0xFA00;
	v3 =	vadd.s32 v1, v3  }
0x344: {  	[tilespmem:s18], [sflag:$0x2] =	stream.indirect_vreg.gather [hbm4b:s5+s15], $0x80, v4, vm0, $0xb8;
	[tilespmem:$0x18200] =	vst v63  }
0x345: {  	s19 =	simm.s32 $0x10200  }
0x346: {  	[tilespmem:s19], [sflag:$0x2] =	stream.indirect_vreg.gather [hbm4b:s7+s15], $0x80, v4, vm0, $0xb8;
	[tilespmem:$0x18200] =	vst v63  }
0x347: {  	s20 =	simm.s32 $0x10A00  }
0x348: {  	[tilespmem:s20], [sflag:$0x2] =	stream.indirect_vreg.gather [hbm4b:s1+s15], $0x80, v3, vm0, $0xb8;
	[tilespmem:$0x18200] =	vst v63  }
0x349: {  	s17 =	simm.s32 $0x11200  }
0x34a: {  	[tilespmem:s17], [sflag:$0x2] =	stream.indirect_vreg.gather [hbm4b:s5+s15], $0x80, v3, vm0, $0xb8;
	[tilespmem:$0x18200] =	vst v63  }
0x34b: {  	s18 =	simm.s32 $0x11A00  }
0x34c: {  	[tilespmem:s18], [sflag:$0x2] =	stream.indirect_vreg.gather [hbm4b:s7+s15], $0x80, v3, vm0, $0xb8;
	[tilespmem:$0x18200] =	vst v63  }
0x34d: {  	v3 =	vld [tilespmem:$0x1E0];
	_ =	sdelay $0x4  }
0x34e: {  	v62 =	vshrl.u32 v3, $0x3  }
0x34f: {  	v4 =	vmul.u32 $0x30, v62  }
0x350: {  	v3 =	vand.u32 $0x7, v3  }
0x351: {  	v3 =	vor.u32 v3, v4  }
0x352: {  	v4 =	vperm.xlane v3, v0;
	_ =	sdelay $0x1  }
0x353: {  	v4 =	vadd.s32 v1, v4;
	_ =	sdelay $0x3  }
0x354: {  	s19 =	simm.s32 $0x12200;
	v3 =	vperm.xlane v3, v2  }
0x355: {  	[tilespmem:s19], [sflag:$0x2] =	stream.indirect_vreg.gather [hbm4b:s1+s15], $0x80, v4, vm0, $0xb8;
	[tilespmem:$0x18200] =	vst v63  }
0x356: {  	s20 =	simm.s32 $0x12A00;
	v3 =	vadd.s32 v1, v3  }
0x357: {  	[tilespmem:s20], [sflag:$0x2] =	stream.indirect_vreg.gather [hbm4b:s5+s15], $0x80, v4, vm0, $0xb8;
	[tilespmem:$0x18200] =	vst v63  }
0x358: {  	s17 =	simm.s32 $0x13200  }
0x359: {  	[tilespmem:s17], [sflag:$0x2] =	stream.indirect_vreg.gather [hbm4b:s7+s15], $0x80, v4, vm0, $0xb8;
	[tilespmem:$0x18200] =	vst v63  }
0x35a: {  	s18 =	simm.s32 $0x13A00  }
0x35b: {  	[tilespmem:s18], [sflag:$0x2] =	stream.indirect_vreg.gather [hbm4b:s1+s15], $0x80, v3, vm0, $0xb8;
	[tilespmem:$0x18200] =	vst v63  }
0x35c: {  	s19 =	simm.s32 $0x14200  }
0x35d: {  	[tilespmem:s19], [sflag:$0x2] =	stream.indirect_vreg.gather [hbm4b:s5+s15], $0x80, v3, vm0, $0xb8;
	[tilespmem:$0x18200] =	vst v63  }
0x35e: {  	s20 =	simm.s32 $0x14A00  }
0x35f: {  	[tilespmem:s20], [sflag:$0x2] =	stream.indirect_vreg.gather [hbm4b:s7+s15], $0x80, v3, vm0, $0xb8;
	[tilespmem:$0x18200] =	vst v63  }
0x360: {  	v3 =	vld [tilespmem:$0x1F0];
	_ =	sdelay $0x4  }
0x361: {  	v63 =	vshrl.u32 v3, $0x3  }
0x362: {  	v4 =	vmul.u32 $0x30, v63  }
0x363: {  	v3 =	vand.u32 $0x7, v3  }
0x364: {  	v3 =	vor.u32 v3, v4  }
0x365: {  	v4 =	vperm.xlane v3, v0;
	_ =	sdelay $0x1  }
0x366: {  	v4 =	vadd.s32 v1, v4;
	_ =	sdelay $0x3  }
0x367: {  	v3 =	vperm.xlane v3, v2  }
0x368: {  	[tilespmem:s21], [sflag:$0x2] =	stream.indirect_vreg.gather [hbm4b:s1+s15], $0x80, v4, vm0, $0xb8;
	[tilespmem:$0x18200] =	vst v63  }
0x369: {  	v3 =	vadd.s32 v1, v3  }
0x36a: {  	[tilespmem:s22], [sflag:$0x2] =	stream.indirect_vreg.gather [hbm4b:s5+s15], $0x80, v4, vm0, $0xb8;
	[tilespmem:$0x18200] =	vst v63  }
0x36b: {  	_ = 	snop  }
0x36c: {  	[tilespmem:s23], [sflag:$0x2] =	stream.indirect_vreg.gather [hbm4b:s7+s15], $0x80, v4, vm0, $0xb8;
	[tilespmem:$0x18200] =	vst v63  }
0x36d: {  	_ = 	snop  }
0x36e: {  	[tilespmem:s24], [sflag:$0x2] =	stream.indirect_vreg.gather [hbm4b:s1+s15], $0x80, v3, vm0, $0xb8;
	[tilespmem:$0x18200] =	vst v63  }
0x36f: {  	_ = 	snop  }
0x370: {  	[tilespmem:s25], [sflag:$0x2] =	stream.indirect_vreg.gather [hbm4b:s5+s15], $0x80, v3, vm0, $0xb8;
	[tilespmem:$0x18200] =	vst v63  }
0x371: {  	_ = 	snop  }
0x372: {  	[tilespmem:s26], [sflag:$0x2] =	stream.indirect_vreg.gather [hbm4b:s7+s15], $0x80, v3, vm0, $0xb8;
	[tilespmem:$0x18200] =	vst v63  }
0x373: {  	_ =	swait.ge [sflag:s28], $0xC000  }
0x374: {  	[sflag:s28] =	ssyncset.done $0x0  }
0x375: {  	s16 =	simm.s32 $0x200;
	[sflag:s28] =	ssyncadd.s32 $0xFFFF4000  }
0x376: {  	[hbm4b:s13+s29] =	stream.strided.scatter [tilespmem:s16], [sflag:$0x3], $0x400, s30, s29, $0x38;
	[tilespmem:$0x18200] =	vst v63  }
0x377: {  	s17 =	simm.s32 $0x600;
	s18 =	sadd.s32 $0x10, s13  }
0x378: {  	[hbm4b:s18+s29] =	stream.strided.scatter [tilespmem:s17], [sflag:$0x3], $0x400, s30, s29, $0x38;
	[tilespmem:$0x18200] =	vst v63  }
0x379: {  	s19 =	simm.s32 $0xA00;
	s20 =	sadd.s32 $0x20, s13  }
0x37a: {  	[hbm4b:s20+s29] =	stream.strided.scatter [tilespmem:s19], [sflag:$0x3], $0x400, s30, s29, $0x38;
	[tilespmem:$0x18200] =	vst v63  }
0x37b: {  	s15 =	simm.s32 $0x1800;
	s17 =	simm.s32 $0xE00;
	s18 =	sadd.s32 $0x30, s13  }
0x37c: {  	[hbm4b:s18+s29] =	stream.strided.scatter [tilespmem:s17], [sflag:$0x3], $0x400, s30, s29, $0x38;
	[tilespmem:$0x18200] =	vst v63  }
0x37d: {  	s16 =	sadd.s32 $0x300, s13;
	s19 =	simm.s32 $0x1200;
	s20 =	sadd.s32 $0x40, s13  }
0x37e: {  	[hbm4b:s20+s29] =	stream.strided.scatter [tilespmem:s19], [sflag:$0x3], $0x400, s30, s29, $0x38;
	[tilespmem:$0x18200] =	vst v63  }
0x37f: {  	s17 =	simm.s32 $0xC000;
	s18 =	simm.s32 $0x1600;
	s19 =	sadd.s32 $0x50, s13  }
.LBB2_14:
0x380: {  	[hbm4b:s19+s29] =	stream.strided.scatter [tilespmem:s18], [sflag:$0x3], $0x400, s30, s29, $0x38;
	[tilespmem:$0x18200] =	vst v63  }
0x381: {  	s18 =	smov.u32 s15;
	s15 =	smov.u32 s17  }
0x382: {  	s20 =	sadd.s32 $0x6000, s17;
	s15 =	sshra.s32 s15, $0x2;
	s19 =	sadd.s32 $0x200, s18  }
0x383: {  	[hbm4b:s16+s29] =	stream.strided.scatter [tilespmem:s19], [sflag:$0x3], $0x400, s30, s29, $0x38;
	[tilespmem:$0x18200] =	vst v63  }
0x384: {  	p0 =	sne.s32 s17, $0x2A000;
	s17 =	sadd.s32 $0x600, s18;
	s19 =	sadd.s32 $0x10, s16  }
0x385: {  	[hbm4b:s19+s29] =	stream.strided.scatter [tilespmem:s17], [sflag:$0x3], $0x400, s30, s29, $0x38;
	[tilespmem:$0x18200] =	vst v63  }
0x386: {  	s17 =	sadd.s32 $0xA00, s18;
	s19 =	sadd.s32 $0x20, s16  }
0x387: {  	[hbm4b:s19+s29] =	stream.strided.scatter [tilespmem:s17], [sflag:$0x3], $0x400, s30, s29, $0x38;
	[tilespmem:$0x18200] =	vst v63  }
.Ltmp6:
0x388: {  	s17 =	sadd.s32 $0xE00, s18;
	s19 =	sadd.s32 $0x30, s16;
	(pc) =	sbr.rel @p0 .LBB2_14-.Ltmp6, $4  }
0x389: {  	[hbm4b:s19+s29] =	stream.strided.scatter [tilespmem:s17], [sflag:$0x3], $0x400, s30, s29, $0x38;
	[tilespmem:$0x18200] =	vst v63  }
0x38a: {  	s17 =	sadd.s32 $0x1200, s18;
	s19 =	sadd.s32 $0x40, s16;
	s18 =	sadd.s32 $0x1600, s18  }
0x38b: {  	[hbm4b:s19+s29] =	stream.strided.scatter [tilespmem:s17], [sflag:$0x3], $0x400, s30, s29, $0x38;
	[tilespmem:$0x18200] =	vst v63  }
0x38c: {  	s19 =	sadd.s32 $0x50, s16;
	s16 =	sadd.s32 $0x300, s16;
	s17 =	smov.u32 s20  }
0x38d: {  	[hbm4b:s19+s29] =	stream.strided.scatter [tilespmem:s18], [sflag:$0x3], $0x400, s30, s29, $0x38;
	[tilespmem:$0x18200] =	vst v63  }
0x38e: {  	s17 =	sadd.s32 $0x200, s15  }
0x38f: {  	[hbm4b:s16+s29] =	stream.strided.scatter [tilespmem:s17], [sflag:$0x3], $0x400, s30, s29, $0x38;
	[tilespmem:$0x18200] =	vst v63  }
0x390: {  	s19 =	sadd.s32 $0x600, s15;
	s20 =	sadd.s32 $0x10, s16  }
0x391: {  	[hbm4b:s20+s29] =	stream.strided.scatter [tilespmem:s19], [sflag:$0x3], $0x400, s30, s29, $0x38;
	[tilespmem:$0x18200] =	vst v63  }
0x392: {  	s19 =	sadd.s32 $0xA00, s15;
	s20 =	sadd.s32 $0x20, s16  }
0x393: {  	[hbm4b:s20+s29] =	stream.strided.scatter [tilespmem:s19], [sflag:$0x3], $0x400, s30, s29, $0x38;
	[tilespmem:$0x18200] =	vst v63  }
0x394: {  	s19 =	sadd.s32 $0xE00, s15;
	s20 =	sadd.s32 $0x30, s16  }
0x395: {  	[hbm4b:s20+s29] =	stream.strided.scatter [tilespmem:s19], [sflag:$0x3], $0x400, s30, s29, $0x38;
	[tilespmem:$0x18200] =	vst v63  }
0x396: {  	s19 =	sadd.s32 $0x1200, s15;
	s20 =	sadd.s32 $0x40, s16  }
0x397: {  	[hbm4b:s20+s29] =	stream.strided.scatter [tilespmem:s19], [sflag:$0x3], $0x400, s30, s29, $0x38;
	[tilespmem:$0x18200] =	vst v63  }
0x398: {  	s19 =	sadd.s32 $0x1600, s15;
	s20 =	sadd.s32 $0x50, s16  }
0x399: {  	[hbm4b:s20+s29] =	stream.strided.scatter [tilespmem:s19], [sflag:$0x3], $0x400, s30, s29, $0x38;
	[tilespmem:$0x18200] =	vst v63  }
0x39a: {  	_ =	swait.ge [sflag:s2], $0xC000  }
0x39b: {  	[sflag:s2] =	ssyncset.done $0x0  }
0x39c: {  	s16 =	simm.s32 $0xC200;
	[sflag:s2] =	ssyncadd.s32 $0xFFFF4000  }
0x39d: {  	[hbm4b:s14+s29] =	stream.strided.scatter [tilespmem:s16], [sflag:$0x4], $0x400, s30, s29, $0x38;
	[tilespmem:$0x18200] =	vst v63  }
0x39e: {  	s18 =	sadd.s32 $0x10, s14;
	s17 =	simm.s32 $0xC600  }
0x39f: {  	[hbm4b:s18+s29] =	stream.strided.scatter [tilespmem:s17], [sflag:$0x4], $0x400, s30, s29, $0x38;
	[tilespmem:$0x18200] =	vst v63  }
0x3a0: {  	s19 =	simm.s32 $0xCA00;
	s20 =	sadd.s32 $0x20, s14  }
0x3a1: {  	[hbm4b:s20+s29] =	stream.strided.scatter [tilespmem:s19], [sflag:$0x4], $0x400, s30, s29, $0x38;
	[tilespmem:$0x18200] =	vst v63  }
0x3a2: {  	s15 =	simm.s32 $0x1800;
	s17 =	simm.s32 $0xCE00;
	s18 =	sadd.s32 $0x30, s14  }
0x3a3: {  	[hbm4b:s18+s29] =	stream.strided.scatter [tilespmem:s17], [sflag:$0x4], $0x400, s30, s29, $0x38;
	[tilespmem:$0x18200] =	vst v63  }
0x3a4: {  	s16 =	sadd.s32 $0x300, s14;
	s19 =	simm.s32 $0xD200;
	s20 =	sadd.s32 $0x40, s14  }
0x3a5: {  	[hbm4b:s20+s29] =	stream.strided.scatter [tilespmem:s19], [sflag:$0x4], $0x400, s30, s29, $0x38;
	[tilespmem:$0x18200] =	vst v63  }
0x3a6: {  	s17 =	simm.s32 $0xC000;
	s18 =	simm.s32 $0xD600;
	s19 =	sadd.s32 $0x50, s14  }
.LBB2_16:
0x3a7: {  	[hbm4b:s19+s29] =	stream.strided.scatter [tilespmem:s18], [sflag:$0x4], $0x400, s30, s29, $0x38;
	[tilespmem:$0x18200] =	vst v63  }
0x3a8: {  	s18 =	smov.u32 s15;
	s15 =	smov.u32 s17  }
0x3a9: {  	s20 =	sadd.s32 $0x6000, s17;
	s15 =	sshra.s32 s15, $0x2;
	s19 =	sadd.s32 $0xC200, s18  }
0x3aa: {  	[hbm4b:s16+s29] =	stream.strided.scatter [tilespmem:s19], [sflag:$0x4], $0x400, s30, s29, $0x38;
	[tilespmem:$0x18200] =	vst v63  }
0x3ab: {  	p0 =	sne.s32 s17, $0x2A000;
	s17 =	sadd.s32 $0xC600, s18;
	s19 =	sadd.s32 $0x10, s16  }
0x3ac: {  	[hbm4b:s19+s29] =	stream.strided.scatter [tilespmem:s17], [sflag:$0x4], $0x400, s30, s29, $0x38;
	[tilespmem:$0x18200] =	vst v63  }
0x3ad: {  	s17 =	sadd.s32 $0xCA00, s18;
	s19 =	sadd.s32 $0x20, s16  }
0x3ae: {  	[hbm4b:s19+s29] =	stream.strided.scatter [tilespmem:s17], [sflag:$0x4], $0x400, s30, s29, $0x38;
	[tilespmem:$0x18200] =	vst v63  }
.Ltmp7:
0x3af: {  	s17 =	sadd.s32 $0xCE00, s18;
	s19 =	sadd.s32 $0x30, s16;
	(pc) =	sbr.rel @p0 .LBB2_16-.Ltmp7, $4  }
0x3b0: {  	[hbm4b:s19+s29] =	stream.strided.scatter [tilespmem:s17], [sflag:$0x4], $0x400, s30, s29, $0x38;
	[tilespmem:$0x18200] =	vst v63  }
0x3b1: {  	s17 =	sadd.s32 $0xD200, s18;
	s19 =	sadd.s32 $0x40, s16;
	s18 =	sadd.s32 $0xD600, s18  }
0x3b2: {  	[hbm4b:s19+s29] =	stream.strided.scatter [tilespmem:s17], [sflag:$0x4], $0x400, s30, s29, $0x38;
	[tilespmem:$0x18200] =	vst v63  }
0x3b3: {  	s19 =	sadd.s32 $0x50, s16;
	s16 =	sadd.s32 $0x300, s16;
	s17 =	smov.u32 s20  }
0x3b4: {  	[hbm4b:s19+s29] =	stream.strided.scatter [tilespmem:s18], [sflag:$0x4], $0x400, s30, s29, $0x38;
	[tilespmem:$0x18200] =	vst v63  }
0x3b5: {  	s17 =	sadd.s32 $0xC200, s15  }
0x3b6: {  	[hbm4b:s16+s29] =	stream.strided.scatter [tilespmem:s17], [sflag:$0x4], $0x400, s30, s29, $0x38;
	[tilespmem:$0x18200] =	vst v63  }
0x3b7: {  	s19 =	sadd.s32 $0xC600, s15;
	s20 =	sadd.s32 $0x10, s16  }
0x3b8: {  	[hbm4b:s20+s29] =	stream.strided.scatter [tilespmem:s19], [sflag:$0x4], $0x400, s30, s29, $0x38;
	[tilespmem:$0x18200] =	vst v63  }
0x3b9: {  	s19 =	sadd.s32 $0xCA00, s15;
	s20 =	sadd.s32 $0x20, s16  }
0x3ba: {  	[hbm4b:s20+s29] =	stream.strided.scatter [tilespmem:s19], [sflag:$0x4], $0x400, s30, s29, $0x38;
	[tilespmem:$0x18200] =	vst v63  }
0x3bb: {  	s19 =	sadd.s32 $0xCE00, s15;
	s20 =	sadd.s32 $0x30, s16  }
0x3bc: {  	[hbm4b:s20+s29] =	stream.strided.scatter [tilespmem:s19], [sflag:$0x4], $0x400, s30, s29, $0x38;
	[tilespmem:$0x18200] =	vst v63  }
0x3bd: {  	s19 =	sadd.s32 $0xD200, s15;
	s20 =	sadd.s32 $0x40, s16  }
0x3be: {  	[hbm4b:s20+s29] =	stream.strided.scatter [tilespmem:s19], [sflag:$0x4], $0x400, s30, s29, $0x38;
	[tilespmem:$0x18200] =	vst v63  }
0x3bf: {  	s18 =	sadd.s32 $0xD600, s15;
	s19 =	sadd.s32 $0x50, s16  }
0x3c0: {  	[hbm4b:s19+s29] =	stream.strided.scatter [tilespmem:s18], [sflag:$0x4], $0x400, s30, s29, $0x38;
	[tilespmem:$0x18200] =	vst v63  }
0x3c1: {  	_ =	swait.ge [sflag:s31], $0xC000  }
0x3c2: {  	[sflag:s31] =	ssyncset.done $0x0  }
0x3c3: {  	[sflag:s31] =	ssyncadd.s32 $0xFFFF4000  }
0x3c4: {  	_ =	swait.ge [sflag:s0], $0xC000  }
0x3c5: {  	s4 =	sadd.s32 $0x1, s4;
	s20 =	rddreg [dreg:$0x5]  }
0x3c6: {  	p0 =	sne.s32 s4, s20  }
.Ltmp8:
0x3c7: {  	_ = 	snop;
	(pc) =	sbr.rel @p0 .LBB2_1-.Ltmp8, $3  }
0x3c8: {  	_ =	sdelay $0x1  }
0x3c9: {  	[sflag:s0] =	ssyncset.done $0x0  }
0x3ca: {  	[sflag:s0] =	ssyncadd.s32 $0xFFFF4000  }
0x3cb: {  	_ =	sfence.sel $0x180000  }
0x3cc: {  	[bflag:$0x0] =	sbarrier.arrive $0xFFFF  }
0x3cd: {  	_ =	strace $0x90000047  }
0x3ce: {  	s0 =	stileid.u32;
	[bflag:$0x2] =	sbarrier.arrive $0xFFFF  }
0x3cf: {  	p0 =	sne.s32 s0, $0x0;
	s0 =	rddreg [dreg:$0x3]  }
0x3d0: {  	s0 =	sadd.s32 @!p0 $0x100000, s0  }
0x3d1: {  	[sflag:s0] =	ssyncadd.tile.s32 @!p0 $0x1;
	_ =	shalt  }
.Lfunc_end2:
_tile_overlayer_lowered:
.L_overlay_start_2:
0x3d2: {  	(tag) =	ssettag $0x2  }
0x3d3: {  	s0 =	rddreg [dreg:$0x0];
	s2 =	stileid.u32  }
0x3d4: {  	s1 =	rddreg [dreg:$0x1];
	p0 =	sne.s32 s2, $0x0  }
0x3d5: {  	s3 =	rddreg [dreg:$0x2];
	[bflag:$0x3] =	sbarrier.arrive $0xFFFF;
	s2 =	simm.s32 @!p0 $0x1C05  }
0x3d6: {  	[timem:s3], [sflag:s2] =	dma.local @!p0 [hbm:s0], s1  }
0x3d7: {  	s0 =	simm.s32 @!p0 $0x5  }
0x3d8: {  	_ =	swait.ge @!p0 [sflag:s0], s1  }
0x3d9: {  	s1 =	ssub.s32 @!p0 $0x0, s1;
	[sflag:s0] =	ssyncset.done @!p0 $0x0  }
0x3da: {  	[sflag:s0] =	ssyncadd.s32 @!p0 s1  }
0x3db: {  	[bflag:$0x3] =	sbarrier.arrive $0xFFFF  }
0x3dc: {  	_ =	shalt  }

</sc_bundles>
